<compile_context>
chip_gen: v7x
topology: tpu7x:2x2x1
jax: 0.10.2.dev20260603
libtpu: 0.0.44.dev20260713+nightly
codegen_flags: <defaults>
</compile_context>

<pallas_src>
import numpy as np
import jax
import jax.numpy as jnp
from jax import lax
from jax.experimental import pallas as pl
from jax.experimental.pallas import tpu as pltpu
from jax.experimental.pallas import tpu_sc as plsc

_VOLUME = 8
_C = 16
_ROW = _VOLUME * _C
_NC = 2
_NS = 16
_NW = _NC * _NS
_CHUNK_ROWS = 128
_CHUNK_WORDS = _CHUNK_ROWS * _ROW


def _sc_body(x_hbm, o_hbm, in0, in1, out0, out1, si0, si1, so0, so1):
    wid = lax.axis_index("s") * _NC + lax.axis_index("c")
    n_rows = o_hbm.shape[0]
    rows_per_w = n_rows // _NW
    n_chunks = rows_per_w // _CHUNK_ROWS
    base_row = wid * rows_per_w

    lane = lax.iota(jnp.int32, 16)
    srcs = []
    dsts = []
    for k in range(_VOLUME):
        i = ((lane >> 1) + k) & (_VOLUME - 1)
        srcs.append(i * _C + lane)
        dsts.append(lane * _VOLUME + i)
    zero16 = lane & 0

    def in_slice(g):
        return x_hbm.at[pl.ds((base_row + g * _CHUNK_ROWS) * _ROW, _CHUNK_WORDS)]

    def out_slice(g):
        return o_hbm.at[pl.ds(base_row + g * _CHUNK_ROWS, _CHUNK_ROWS), :]

    def permute(in_b, out_b):
        @plsc.parallel_loop(0, _CHUNK_ROWS, carry=zero16)
        def _(n, nvec):
            nbase = nvec * _ROW
            for k in range(_VOLUME):
                vals = plsc.load_gather(in_b, [nbase + srcs[k]])
                plsc.store_scatter(out_b, [nvec, dsts[k]], vals)
            return nvec + 1

    def slot(g, in_b, out_b, si, so, wait_out, load_next):
        pltpu.make_async_copy(in_slice(g), in_b, si).wait()
        if wait_out:
            pltpu.make_async_copy(out_b, out_slice(g), so).wait()
        permute(in_b, out_b)
        pltpu.async_copy(out_b, out_slice(g), so)
        if load_next:
            pltpu.async_copy(in_slice(g + 2), in_b, si)

    pltpu.async_copy(in_slice(0), in0, si0)
    pltpu.async_copy(in_slice(1), in1, si1)
    slot(0, in0, out0, si0, so0, wait_out=False, load_next=True)
    slot(1, in1, out1, si1, so1, wait_out=False, load_next=True)

    def pair_body(g2, _):
        g = g2 * 2
        slot(g, in0, out0, si0, so0, wait_out=True, load_next=True)
        slot(g + 1, in1, out1, si1, so1, wait_out=True, load_next=True)
        return 0

    lax.fori_loop(1, n_chunks // 2 - 1, pair_body, 0)

    slot(n_chunks - 2, in0, out0, si0, so0, wait_out=True, load_next=False)
    slot(n_chunks - 1, in1, out1, si1, so1, wait_out=True, load_next=False)
    pltpu.make_async_copy(out0, out_slice(n_chunks - 2), so0).wait()
    pltpu.make_async_copy(out1, out_slice(n_chunks - 1), so1).wait()


def kernel(features, original_indices):
    n_rows = features.shape[0] // _VOLUME
    x = features.reshape(n_rows * _ROW)
    mesh = plsc.VectorSubcoreMesh(core_axis_name="c", subcore_axis_name="s")
    out = pl.kernel(
        _sc_body,
        out_type=jax.ShapeDtypeStruct((n_rows, _ROW), jnp.float32),
        mesh=mesh,
        compiler_params=pltpu.CompilerParams(needs_layout_passes=False),
        scratch_types=[
            pltpu.VMEM((_CHUNK_WORDS,), jnp.float32),
            pltpu.VMEM((_CHUNK_WORDS,), jnp.float32),
            pltpu.VMEM((_CHUNK_ROWS, _ROW), jnp.float32),
            pltpu.VMEM((_CHUNK_ROWS, _ROW), jnp.float32),
            pltpu.SemaphoreType.DMA,
            pltpu.SemaphoreType.DMA,
            pltpu.SemaphoreType.DMA,
            pltpu.SemaphoreType.DMA,
        ],
    )(x)
    return out, original_indices

# --- scband reference (transcript-rebuilt; emitter-appended) ---
"""Pipeline reference for scband-voxel-unshuffle-82660940579209 (READ-ONLY COPY).

The authoritative reference and input builder live on the scoring server;
editing this copy changes nothing except your own understanding.
"""

import jax, jax.numpy as jnp
import numpy as np

SCALE = 2
PAIRING_STYLE = 'strided'
VOLUME = SCALE ** 3
N_VOXELS = 131072
C = 16
SPATIAL_SHAPE = (128, 128, 128)
NEW_SHAPE = [int(d // SCALE) for d in SPATIAL_SHAPE]
BATCH_SIZE = 4


def setup_inputs(seed: int = 0) -> dict:
    key = jax.random.key(seed)
    k1, k2 = jax.random.split(key)
    features = jax.random.normal(k1, (N_VOXELS * VOLUME, C), dtype=jnp.float32)
    original_indices = jax.random.randint(k2, (N_VOXELS,), 0, 262144, dtype=jnp.int32)
    return {"features": features, "original_indices": original_indices}


def reference(features, original_indices):
    # Faithful translation of VoxelUnshuffle.forward.
    # The torch loop writes features[n*volume + i] into
    #   sequential: original_features[n, i*C:(i+1)*C]
    #   strided:    original_features[n, i::volume]
    N = original_indices.shape[0]
    volume = VOLUME
    Cf = features.shape[1]
    num_channels_per_point = Cf * volume
    feats3 = features.reshape(N, volume, Cf)
    if PAIRING_STYLE == 'sequential':
        # element (i, c) -> column i*C + c
        cols = (jnp.arange(volume)[:, None] * Cf + jnp.arange(Cf)[None, :]).reshape(-1)
    else:  # 'strided'
        # element (i, c) -> column i + c*volume  (i.e. slot i::volume)
        cols = (jnp.arange(volume)[:, None] + jnp.arange(Cf)[None, :] * volume).reshape(-1)
    original_features = jnp.zeros((N, num_channels_per_point), dtype=features.dtype)
    original_features = original_features.at[:, cols].set(feats3.reshape(N, -1))
    # new SparseConvTensor fields: (features, indices, spatial_shape, batch_size)
    return original_features, original_indices

if __name__ == "__main__":
    import jax
    _d = setup_inputs()
    print(jax.jit(kernel)(*tuple(_d.values())))

</pallas_src>

<mosaic_0001>
#map = affine_map<(d0, d1) -> (0)>
#map1 = affine_map<(d0, d1) -> (0, 0)>
module attributes {stable_mosaic.version = 14 : i64} {
  func.func @_sc_body(%arg0: i32, %arg1: i32, %arg2: memref<16777216xf32, #tpu.memory_space<hbm>>, %arg3: memref<131072x128xf32, #tpu.memory_space<hbm>>, %arg4: memref<16384xf32, #tpu.memory_space<vmem>>, %arg5: memref<16384xf32, #tpu.memory_space<vmem>>, %arg6: memref<128x128xf32, #tpu.memory_space<vmem>>, %arg7: memref<128x128xf32, #tpu.memory_space<vmem>>, %arg8: memref<!tpu.dma_semaphore, #tpu.memory_space<semaphore_mem>>, %arg9: memref<!tpu.dma_semaphore, #tpu.memory_space<semaphore_mem>>, %arg10: memref<!tpu.dma_semaphore, #tpu.memory_space<semaphore_mem>>, %arg11: memref<!tpu.dma_semaphore, #tpu.memory_space<semaphore_mem>>) attributes {dimension_semantics = [#tpu.dimension_semantics<core_parallel>, #tpu.dimension_semantics<subcore_parallel>], iteration_bounds = array<i64: 2, 16>, scalar_prefetch = 0 : i64, scratch_operands = 8 : i64, tpu.core_type = #tpu.core_type<sc_vector_subcore>, window_params = [{transform_indices = #map}, {transform_indices = #map1}]} {
    %mul3A = arith.constant 2 : i32
    %mul3A_0 = arith.muli %arg1, %mul3A : i32
    %add3A = arith.addi %mul3A_0, %arg0 : i32
    %mul3A_1 = arith.constant 4096 : i32
    %mul3A_2 = arith.muli %add3A, %mul3A_1 : i32
    %iota3A = tpu.iota {dimensions = array<i32: 0>} : vector<16xi32>
    %shift_right_arithmetic3A = arith.constant 1 : i32
    %shift_right_arithmetic3A_3 = vector.broadcast %shift_right_arithmetic3A : i32 to vector<16xi32>
    %shift_right_arithmetic3A_4 = arith.shrsi %iota3A, %shift_right_arithmetic3A_3 : vector<16xi32>
    %add3A_5 = arith.constant 0 : i32
    %add3A_6 = vector.broadcast %add3A_5 : i32 to vector<16xi32>
    %add3A_7 = arith.addi %shift_right_arithmetic3A_4, %add3A_6 : vector<16xi32>
    %and3A = arith.constant 7 : i32
    %and3A_8 = vector.broadcast %and3A : i32 to vector<16xi32>
    %and3A_9 = arith.andi %add3A_7, %and3A_8 : vector<16xi32>
    %mul3A_10 = arith.constant 16 : i32
    %mul3A_11 = vector.broadcast %mul3A_10 : i32 to vector<16xi32>
    %mul3A_12 = arith.muli %and3A_9, %mul3A_11 : vector<16xi32>
    %add3A_13 = arith.addi %mul3A_12, %iota3A : vector<16xi32>
    %mul3A_14 = arith.constant 8 : i32
    %mul3A_15 = vector.broadcast %mul3A_14 : i32 to vector<16xi32>
    %mul3A_16 = arith.muli %iota3A, %mul3A_15 : vector<16xi32>
    %add3A_17 = arith.addi %mul3A_16, %and3A_9 : vector<16xi32>
    %shift_right_arithmetic3A_18 = arith.constant 1 : i32
    %shift_right_arithmetic3A_19 = vector.broadcast %shift_right_arithmetic3A_18 : i32 to vector<16xi32>
    %shift_right_arithmetic3A_20 = arith.shrsi %iota3A, %shift_right_arithmetic3A_19 : vector<16xi32>
    %add3A_21 = arith.constant 1 : i32
    %add3A_22 = vector.broadcast %add3A_21 : i32 to vector<16xi32>
    %add3A_23 = arith.addi %shift_right_arithmetic3A_20, %add3A_22 : vector<16xi32>
    %and3A_24 = arith.constant 7 : i32
    %and3A_25 = vector.broadcast %and3A_24 : i32 to vector<16xi32>
    %and3A_26 = arith.andi %add3A_23, %and3A_25 : vector<16xi32>
    %mul3A_27 = arith.constant 16 : i32
    %mul3A_28 = vector.broadcast %mul3A_27 : i32 to vector<16xi32>
    %mul3A_29 = arith.muli %and3A_26, %mul3A_28 : vector<16xi32>
    %add3A_30 = arith.addi %mul3A_29, %iota3A : vector<16xi32>
    %mul3A_31 = arith.constant 8 : i32
    %mul3A_32 = vector.broadcast %mul3A_31 : i32 to vector<16xi32>
    %mul3A_33 = arith.muli %iota3A, %mul3A_32 : vector<16xi32>
    %add3A_34 = arith.addi %mul3A_33, %and3A_26 : vector<16xi32>
    %shift_right_arithmetic3A_35 = arith.constant 1 : i32
    %shift_right_arithmetic3A_36 = vector.broadcast %shift_right_arithmetic3A_35 : i32 to vector<16xi32>
    %shift_right_arithmetic3A_37 = arith.shrsi %iota3A, %shift_right_arithmetic3A_36 : vector<16xi32>
    %add3A_38 = arith.constant 2 : i32
    %add3A_39 = vector.broadcast %add3A_38 : i32 to vector<16xi32>
    %add3A_40 = arith.addi %shift_right_arithmetic3A_37, %add3A_39 : vector<16xi32>
    %and3A_41 = arith.constant 7 : i32
    %and3A_42 = vector.broadcast %and3A_41 : i32 to vector<16xi32>
    %and3A_43 = arith.andi %add3A_40, %and3A_42 : vector<16xi32>
    %mul3A_44 = arith.constant 16 : i32
    %mul3A_45 = vector.broadcast %mul3A_44 : i32 to vector<16xi32>
    %mul3A_46 = arith.muli %and3A_43, %mul3A_45 : vector<16xi32>
    %add3A_47 = arith.addi %mul3A_46, %iota3A : vector<16xi32>
    %mul3A_48 = arith.constant 8 : i32
    %mul3A_49 = vector.broadcast %mul3A_48 : i32 to vector<16xi32>
    %mul3A_50 = arith.muli %iota3A, %mul3A_49 : vector<16xi32>
    %add3A_51 = arith.addi %mul3A_50, %and3A_43 : vector<16xi32>
    %shift_right_arithmetic3A_52 = arith.constant 1 : i32
    %shift_right_arithmetic3A_53 = vector.broadcast %shift_right_arithmetic3A_52 : i32 to vector<16xi32>
    %shift_right_arithmetic3A_54 = arith.shrsi %iota3A, %shift_right_arithmetic3A_53 : vector<16xi32>
    %add3A_55 = arith.constant 3 : i32
    %add3A_56 = vector.broadcast %add3A_55 : i32 to vector<16xi32>
    %add3A_57 = arith.addi %shift_right_arithmetic3A_54, %add3A_56 : vector<16xi32>
    %and3A_58 = arith.constant 7 : i32
    %and3A_59 = vector.broadcast %and3A_58 : i32 to vector<16xi32>
    %and3A_60 = arith.andi %add3A_57, %and3A_59 : vector<16xi32>
    %mul3A_61 = arith.constant 16 : i32
    %mul3A_62 = vector.broadcast %mul3A_61 : i32 to vector<16xi32>
    %mul3A_63 = arith.muli %and3A_60, %mul3A_62 : vector<16xi32>
    %add3A_64 = arith.addi %mul3A_63, %iota3A : vector<16xi32>
    %mul3A_65 = arith.constant 8 : i32
    %mul3A_66 = vector.broadcast %mul3A_65 : i32 to vector<16xi32>
    %mul3A_67 = arith.muli %iota3A, %mul3A_66 : vector<16xi32>
    %add3A_68 = arith.addi %mul3A_67, %and3A_60 : vector<16xi32>
    %shift_right_arithmetic3A_69 = arith.constant 1 : i32
    %shift_right_arithmetic3A_70 = vector.broadcast %shift_right_arithmetic3A_69 : i32 to vector<16xi32>
    %shift_right_arithmetic3A_71 = arith.shrsi %iota3A, %shift_right_arithmetic3A_70 : vector<16xi32>
    %add3A_72 = arith.constant 4 : i32
    %add3A_73 = vector.broadcast %add3A_72 : i32 to vector<16xi32>
    %add3A_74 = arith.addi %shift_right_arithmetic3A_71, %add3A_73 : vector<16xi32>
    %and3A_75 = arith.constant 7 : i32
    %and3A_76 = vector.broadcast %and3A_75 : i32 to vector<16xi32>
    %and3A_77 = arith.andi %add3A_74, %and3A_76 : vector<16xi32>
    %mul3A_78 = arith.constant 16 : i32
    %mul3A_79 = vector.broadcast %mul3A_78 : i32 to vector<16xi32>
    %mul3A_80 = arith.muli %and3A_77, %mul3A_79 : vector<16xi32>
    %add3A_81 = arith.addi %mul3A_80, %iota3A : vector<16xi32>
    %mul3A_82 = arith.constant 8 : i32
    %mul3A_83 = vector.broadcast %mul3A_82 : i32 to vector<16xi32>
    %mul3A_84 = arith.muli %iota3A, %mul3A_83 : vector<16xi32>
    %add3A_85 = arith.addi %mul3A_84, %and3A_77 : vector<16xi32>
    %shift_right_arithmetic3A_86 = arith.constant 1 : i32
    %shift_right_arithmetic3A_87 = vector.broadcast %shift_right_arithmetic3A_86 : i32 to vector<16xi32>
    %shift_right_arithmetic3A_88 = arith.shrsi %iota3A, %shift_right_arithmetic3A_87 : vector<16xi32>
    %add3A_89 = arith.constant 5 : i32
    %add3A_90 = vector.broadcast %add3A_89 : i32 to vector<16xi32>
    %add3A_91 = arith.addi %shift_right_arithmetic3A_88, %add3A_90 : vector<16xi32>
    %and3A_92 = arith.constant 7 : i32
    %and3A_93 = vector.broadcast %and3A_92 : i32 to vector<16xi32>
    %and3A_94 = arith.andi %add3A_91, %and3A_93 : vector<16xi32>
    %mul3A_95 = arith.constant 16 : i32
    %mul3A_96 = vector.broadcast %mul3A_95 : i32 to vector<16xi32>
    %mul3A_97 = arith.muli %and3A_94, %mul3A_96 : vector<16xi32>
    %add3A_98 = arith.addi %mul3A_97, %iota3A : vector<16xi32>
    %mul3A_99 = arith.constant 8 : i32
    %mul3A_100 = vector.broadcast %mul3A_99 : i32 to vector<16xi32>
    %mul3A_101 = arith.muli %iota3A, %mul3A_100 : vector<16xi32>
    %add3A_102 = arith.addi %mul3A_101, %and3A_94 : vector<16xi32>
    %shift_right_arithmetic3A_103 = arith.constant 1 : i32
    %shift_right_arithmetic3A_104 = vector.broadcast %shift_right_arithmetic3A_103 : i32 to vector<16xi32>
    %shift_right_arithmetic3A_105 = arith.shrsi %iota3A, %shift_right_arithmetic3A_104 : vector<16xi32>
    %add3A_106 = arith.constant 6 : i32
    %add3A_107 = vector.broadcast %add3A_106 : i32 to vector<16xi32>
    %add3A_108 = arith.addi %shift_right_arithmetic3A_105, %add3A_107 : vector<16xi32>
    %and3A_109 = arith.constant 7 : i32
    %and3A_110 = vector.broadcast %and3A_109 : i32 to vector<16xi32>
    %and3A_111 = arith.andi %add3A_108, %and3A_110 : vector<16xi32>
    %mul3A_112 = arith.constant 16 : i32
    %mul3A_113 = vector.broadcast %mul3A_112 : i32 to vector<16xi32>
    %mul3A_114 = arith.muli %and3A_111, %mul3A_113 : vector<16xi32>
    %add3A_115 = arith.addi %mul3A_114, %iota3A : vector<16xi32>
    %mul3A_116 = arith.constant 8 : i32
    %mul3A_117 = vector.broadcast %mul3A_116 : i32 to vector<16xi32>
    %mul3A_118 = arith.muli %iota3A, %mul3A_117 : vector<16xi32>
    %add3A_119 = arith.addi %mul3A_118, %and3A_111 : vector<16xi32>
    %shift_right_arithmetic3A_120 = arith.constant 1 : i32
    %shift_right_arithmetic3A_121 = vector.broadcast %shift_right_arithmetic3A_120 : i32 to vector<16xi32>
    %shift_right_arithmetic3A_122 = arith.shrsi %iota3A, %shift_right_arithmetic3A_121 : vector<16xi32>
    %add3A_123 = arith.constant 7 : i32
    %add3A_124 = vector.broadcast %add3A_123 : i32 to vector<16xi32>
    %add3A_125 = arith.addi %shift_right_arithmetic3A_122, %add3A_124 : vector<16xi32>
    %and3A_126 = arith.constant 7 : i32
    %and3A_127 = vector.broadcast %and3A_126 : i32 to vector<16xi32>
    %and3A_128 = arith.andi %add3A_125, %and3A_127 : vector<16xi32>
    %mul3A_129 = arith.constant 16 : i32
    %mul3A_130 = vector.broadcast %mul3A_129 : i32 to vector<16xi32>
    %mul3A_131 = arith.muli %and3A_128, %mul3A_130 : vector<16xi32>
    %add3A_132 = arith.addi %mul3A_131, %iota3A : vector<16xi32>
    %mul3A_133 = arith.constant 8 : i32
    %mul3A_134 = vector.broadcast %mul3A_133 : i32 to vector<16xi32>
    %mul3A_135 = arith.muli %iota3A, %mul3A_134 : vector<16xi32>
    %add3A_136 = arith.addi %mul3A_135, %and3A_128 : vector<16xi32>
    %and3A_137 = arith.constant 0 : i32
    %and3A_138 = vector.broadcast %and3A_137 : i32 to vector<16xi32>
    %and3A_139 = arith.andi %iota3A, %and3A_138 : vector<16xi32>
    %add3A_140 = arith.constant 0 : i32
    %add3A_141 = arith.addi %mul3A_2, %add3A_140 : i32
    %mul3A_142 = arith.constant 128 : i32
    %mul3A_143 = arith.muli %add3A_141, %mul3A_142 : i32
    %dma_start3A = tpu.memref_slice %arg2[%mul3A_143] : memref<16777216xf32, #tpu.memory_space<hbm>> -> memref<16384xf32, #tpu.memory_space<hbm>>
    %dma_start3A_144 = tpu.memref_slice %arg2[%mul3A_143] : memref<16777216xf32, #tpu.memory_space<hbm>> -> memref<16384xf32, #tpu.memory_space<hbm>>
    tpu.enqueue_dma source(%dma_start3A_144 : memref<16384xf32, #tpu.memory_space<hbm>>) target(%arg4 : memref<16384xf32, #tpu.memory_space<vmem>>) target_semaphore(%arg8 : memref<!tpu.dma_semaphore, #tpu.memory_space<semaphore_mem>>)
    %add3A_145 = arith.constant 128 : i32
    %add3A_146 = arith.addi %mul3A_2, %add3A_145 : i32
    %mul3A_147 = arith.constant 128 : i32
    %mul3A_148 = arith.muli %add3A_146, %mul3A_147 : i32
    %dma_start3A_149 = tpu.memref_slice %arg2[%mul3A_148] : memref<16777216xf32, #tpu.memory_space<hbm>> -> memref<16384xf32, #tpu.memory_space<hbm>>
    %dma_start3A_150 = tpu.memref_slice %arg2[%mul3A_148] : memref<16777216xf32, #tpu.memory_space<hbm>> -> memref<16384xf32, #tpu.memory_space<hbm>>
    tpu.enqueue_dma source(%dma_start3A_150 : memref<16384xf32, #tpu.memory_space<hbm>>) target(%arg5 : memref<16384xf32, #tpu.memory_space<vmem>>) target_semaphore(%arg9 : memref<!tpu.dma_semaphore, #tpu.memory_space<semaphore_mem>>)
    %add3A_151 = arith.constant 0 : i32
    %add3A_152 = arith.addi %mul3A_2, %add3A_151 : i32
    %mul3A_153 = arith.constant 128 : i32
    %mul3A_154 = arith.muli %add3A_152, %mul3A_153 : i32
    %dma_wait3A = tpu.memref_slice %arg2[%mul3A_154] : memref<16777216xf32, #tpu.memory_space<hbm>> -> memref<16384xf32, #tpu.memory_space<hbm>>
    %dma_wait3A_155 = tpu.memref_slice %arg2[%mul3A_154] : memref<16777216xf32, #tpu.memory_space<hbm>> -> memref<16384xf32, #tpu.memory_space<hbm>>
    tpu.wait_dma2 semaphore(%arg8 : memref<!tpu.dma_semaphore, #tpu.memory_space<semaphore_mem>>) src(%dma_wait3A_155 : memref<16384xf32, #tpu.memory_space<hbm>>) dst(%arg4 : memref<16384xf32, #tpu.memory_space<vmem>>)
    %parallel_loop3A = arith.constant 0 : i32
    %parallel_loop3A_156 = arith.constant 128 : i32
    %parallel_loop3A_157 = arith.constant 1 : i32
    %parallel_loop3A_158 = scf.for %parallel_loop3A_255 = %parallel_loop3A to %parallel_loop3A_156 step %parallel_loop3A_157 iter_args(%parallel_loop3A_256 = %and3A_139) -> (vector<16xi32>)  : i32 {
      %parallel_loop3A_257 = arith.constant 128 : i32
      %parallel_loop3A_258 = vector.broadcast %parallel_loop3A_257 : i32 to vector<16xi32>
      %parallel_loop3A_259 = arith.muli %parallel_loop3A_256, %parallel_loop3A_258 : vector<16xi32>
      %parallel_loop3A_260 = arith.addi %parallel_loop3A_259, %add3A_13 : vector<16xi32>
      %parallel_loop3A_261 = tpu.vector_load_idx %arg4[%parallel_loop3A_260] : memref<16384xf32, #tpu.memory_space<vmem>>[vector<16xi32>], vector<16xf32>,
      tpu.vector_store_idx %arg6[%parallel_loop3A_256, %add3A_17], %parallel_loop3A_261 : memref<128x128xf32, #tpu.memory_space<vmem>>[vector<16xi32>, vector<16xi32>], vector<16xf32>,
      %parallel_loop3A_262 = arith.addi %parallel_loop3A_259, %add3A_30 : vector<16xi32>
      %parallel_loop3A_263 = tpu.vector_load_idx %arg4[%parallel_loop3A_262] : memref<16384xf32, #tpu.memory_space<vmem>>[vector<16xi32>], vector<16xf32>,
      tpu.vector_store_idx %arg6[%parallel_loop3A_256, %add3A_34], %parallel_loop3A_263 : memref<128x128xf32, #tpu.memory_space<vmem>>[vector<16xi32>, vector<16xi32>], vector<16xf32>,
      %parallel_loop3A_264 = arith.addi %parallel_loop3A_259, %add3A_47 : vector<16xi32>
      %parallel_loop3A_265 = tpu.vector_load_idx %arg4[%parallel_loop3A_264] : memref<16384xf32, #tpu.memory_space<vmem>>[vector<16xi32>], vector<16xf32>,
      tpu.vector_store_idx %arg6[%parallel_loop3A_256, %add3A_51], %parallel_loop3A_265 : memref<128x128xf32, #tpu.memory_space<vmem>>[vector<16xi32>, vector<16xi32>], vector<16xf32>,
      %parallel_loop3A_266 = arith.addi %parallel_loop3A_259, %add3A_64 : vector<16xi32>
      %parallel_loop3A_267 = tpu.vector_load_idx %arg4[%parallel_loop3A_266] : memref<16384xf32, #tpu.memory_space<vmem>>[vector<16xi32>], vector<16xf32>,
      tpu.vector_store_idx %arg6[%parallel_loop3A_256, %add3A_68], %parallel_loop3A_267 : memref<128x128xf32, #tpu.memory_space<vmem>>[vector<16xi32>, vector<16xi32>], vector<16xf32>,
      %parallel_loop3A_268 = arith.addi %parallel_loop3A_259, %add3A_81 : vector<16xi32>
      %parallel_loop3A_269 = tpu.vector_load_idx %arg4[%parallel_loop3A_268] : memref<16384xf32, #tpu.memory_space<vmem>>[vector<16xi32>], vector<16xf32>,
      tpu.vector_store_idx %arg6[%parallel_loop3A_256, %add3A_85], %parallel_loop3A_269 : memref<128x128xf32, #tpu.memory_space<vmem>>[vector<16xi32>, vector<16xi32>], vector<16xf32>,
      %parallel_loop3A_270 = arith.addi %parallel_loop3A_259, %add3A_98 : vector<16xi32>
      %parallel_loop3A_271 = tpu.vector_load_idx %arg4[%parallel_loop3A_270] : memref<16384xf32, #tpu.memory_space<vmem>>[vector<16xi32>], vector<16xf32>,
      tpu.vector_store_idx %arg6[%parallel_loop3A_256, %add3A_102], %parallel_loop3A_271 : memref<128x128xf32, #tpu.memory_space<vmem>>[vector<16xi32>, vector<16xi32>], vector<16xf32>,
      %parallel_loop3A_272 = arith.addi %parallel_loop3A_259, %add3A_115 : vector<16xi32>
      %parallel_loop3A_273 = tpu.vector_load_idx %arg4[%parallel_loop3A_272] : memref<16384xf32, #tpu.memory_space<vmem>>[vector<16xi32>], vector<16xf32>,
      tpu.vector_store_idx %arg6[%parallel_loop3A_256, %add3A_119], %parallel_loop3A_273 : memref<128x128xf32, #tpu.memory_space<vmem>>[vector<16xi32>, vector<16xi32>], vector<16xf32>,
      %parallel_loop3A_274 = arith.addi %parallel_loop3A_259, %add3A_132 : vector<16xi32>
      %parallel_loop3A_275 = tpu.vector_load_idx %arg4[%parallel_loop3A_274] : memref<16384xf32, #tpu.memory_space<vmem>>[vector<16xi32>], vector<16xf32>,
      tpu.vector_store_idx %arg6[%parallel_loop3A_256, %add3A_136], %parallel_loop3A_275 : memref<128x128xf32, #tpu.memory_space<vmem>>[vector<16xi32>, vector<16xi32>], vector<16xf32>,
      %parallel_loop3A_276 = arith.constant 1 : i32
      %parallel_loop3A_277 = vector.broadcast %parallel_loop3A_276 : i32 to vector<16xi32>
      %parallel_loop3A_278 = arith.addi %parallel_loop3A_256, %parallel_loop3A_277 : vector<16xi32>
      scf.yield %parallel_loop3A_278 : vector<16xi32>
    } {sc.loop_unroll_factor = 1 : i64, sc.parallel_access}
    %add3A_159 = arith.constant 0 : i32
    %add3A_160 = arith.addi %mul3A_2, %add3A_159 : i32
    %dma_start3A_161 = arith.constant 0 : i32
    %dma_start3A_162 = tpu.memref_slice %arg3[%add3A_160, %dma_start3A_161] : memref<131072x128xf32, #tpu.memory_space<hbm>> -> memref<128x128xf32, #tpu.memory_space<hbm>>
    %dma_start3A_163 = arith.constant 0 : i32
    %dma_start3A_164 = tpu.memref_slice %arg3[%add3A_160, %dma_start3A_163] : memref<131072x128xf32, #tpu.memory_space<hbm>> -> memref<128x128xf32, #tpu.memory_space<hbm>>
    tpu.enqueue_dma source(%arg6 : memref<128x128xf32, #tpu.memory_space<vmem>>) target(%dma_start3A_164 : memref<128x128xf32, #tpu.memory_space<hbm>>) target_semaphore(%arg10 : memref<!tpu.dma_semaphore, #tpu.memory_space<semaphore_mem>>)
    %add3A_165 = arith.constant 256 : i32
    %add3A_166 = arith.addi %mul3A_2, %add3A_165 : i32
    %mul3A_167 = arith.constant 128 : i32
    %mul3A_168 = arith.muli %add3A_166, %mul3A_167 : i32
    %dma_start3A_169 = tpu.memref_slice %arg2[%mul3A_168] : memref<16777216xf32, #tpu.memory_space<hbm>> -> memref<16384xf32, #tpu.memory_space<hbm>>
    %dma_start3A_170 = tpu.memref_slice %arg2[%mul3A_168] : memref<16777216xf32, #tpu.memory_space<hbm>> -> memref<16384xf32, #tpu.memory_space<hbm>>
    tpu.enqueue_dma source(%dma_start3A_170 : memref<16384xf32, #tpu.memory_space<hbm>>) target(%arg4 : memref<16384xf32, #tpu.memory_space<vmem>>) target_semaphore(%arg8 : memref<!tpu.dma_semaphore, #tpu.memory_space<semaphore_mem>>)
    %add3A_171 = arith.constant 128 : i32
    %add3A_172 = arith.addi %mul3A_2, %add3A_171 : i32
    %mul3A_173 = arith.constant 128 : i32
    %mul3A_174 = arith.muli %add3A_172, %mul3A_173 : i32
    %dma_wait3A_175 = tpu.memref_slice %arg2[%mul3A_174] : memref<16777216xf32, #tpu.memory_space<hbm>> -> memref<16384xf32, #tpu.memory_space<hbm>>
    %dma_wait3A_176 = tpu.memref_slice %arg2[%mul3A_174] : memref<16777216xf32, #tpu.memory_space<hbm>> -> memref<16384xf32, #tpu.memory_space<hbm>>
    tpu.wait_dma2 semaphore(%arg9 : memref<!tpu.dma_semaphore, #tpu.memory_space<semaphore_mem>>) src(%dma_wait3A_176 : memref<16384xf32, #tpu.memory_space<hbm>>) dst(%arg5 : memref<16384xf32, #tpu.memory_space<vmem>>)
    %parallel_loop3A_177 = arith.constant 0 : i32
    %parallel_loop3A_178 = arith.constant 128 : i32
    %parallel_loop3A_179 = arith.constant 1 : i32
    %parallel_loop3A_180 = scf.for %parallel_loop3A_255 = %parallel_loop3A_177 to %parallel_loop3A_178 step %parallel_loop3A_179 iter_args(%parallel_loop3A_256 = %and3A_139) -> (vector<16xi32>)  : i32 {
      %parallel_loop3A_257 = arith.constant 128 : i32
      %parallel_loop3A_258 = vector.broadcast %parallel_loop3A_257 : i32 to vector<16xi32>
      %parallel_loop3A_259 = arith.muli %parallel_loop3A_256, %parallel_loop3A_258 : vector<16xi32>
      %parallel_loop3A_260 = arith.addi %parallel_loop3A_259, %add3A_13 : vector<16xi32>
      %parallel_loop3A_261 = tpu.vector_load_idx %arg5[%parallel_loop3A_260] : memref<16384xf32, #tpu.memory_space<vmem>>[vector<16xi32>], vector<16xf32>,
      tpu.vector_store_idx %arg7[%parallel_loop3A_256, %add3A_17], %parallel_loop3A_261 : memref<128x128xf32, #tpu.memory_space<vmem>>[vector<16xi32>, vector<16xi32>], vector<16xf32>,
      %parallel_loop3A_262 = arith.addi %parallel_loop3A_259, %add3A_30 : vector<16xi32>
      %parallel_loop3A_263 = tpu.vector_load_idx %arg5[%parallel_loop3A_262] : memref<16384xf32, #tpu.memory_space<vmem>>[vector<16xi32>], vector<16xf32>,
      tpu.vector_store_idx %arg7[%parallel_loop3A_256, %add3A_34], %parallel_loop3A_263 : memref<128x128xf32, #tpu.memory_space<vmem>>[vector<16xi32>, vector<16xi32>], vector<16xf32>,
      %parallel_loop3A_264 = arith.addi %parallel_loop3A_259, %add3A_47 : vector<16xi32>
      %parallel_loop3A_265 = tpu.vector_load_idx %arg5[%parallel_loop3A_264] : memref<16384xf32, #tpu.memory_space<vmem>>[vector<16xi32>], vector<16xf32>,
      tpu.vector_store_idx %arg7[%parallel_loop3A_256, %add3A_51], %parallel_loop3A_265 : memref<128x128xf32, #tpu.memory_space<vmem>>[vector<16xi32>, vector<16xi32>], vector<16xf32>,
      %parallel_loop3A_266 = arith.addi %parallel_loop3A_259, %add3A_64 : vector<16xi32>
      %parallel_loop3A_267 = tpu.vector_load_idx %arg5[%parallel_loop3A_266] : memref<16384xf32, #tpu.memory_space<vmem>>[vector<16xi32>], vector<16xf32>,
      tpu.vector_store_idx %arg7[%parallel_loop3A_256, %add3A_68], %parallel_loop3A_267 : memref<128x128xf32, #tpu.memory_space<vmem>>[vector<16xi32>, vector<16xi32>], vector<16xf32>,
      %parallel_loop3A_268 = arith.addi %parallel_loop3A_259, %add3A_81 : vector<16xi32>
      %parallel_loop3A_269 = tpu.vector_load_idx %arg5[%parallel_loop3A_268] : memref<16384xf32, #tpu.memory_space<vmem>>[vector<16xi32>], vector<16xf32>,
      tpu.vector_store_idx %arg7[%parallel_loop3A_256, %add3A_85], %parallel_loop3A_269 : memref<128x128xf32, #tpu.memory_space<vmem>>[vector<16xi32>, vector<16xi32>], vector<16xf32>,
      %parallel_loop3A_270 = arith.addi %parallel_loop3A_259, %add3A_98 : vector<16xi32>
      %parallel_loop3A_271 = tpu.vector_load_idx %arg5[%parallel_loop3A_270] : memref<16384xf32, #tpu.memory_space<vmem>>[vector<16xi32>], vector<16xf32>,
      tpu.vector_store_idx %arg7[%parallel_loop3A_256, %add3A_102], %parallel_loop3A_271 : memref<128x128xf32, #tpu.memory_space<vmem>>[vector<16xi32>, vector<16xi32>], vector<16xf32>,
      %parallel_loop3A_272 = arith.addi %parallel_loop3A_259, %add3A_115 : vector<16xi32>
      %parallel_loop3A_273 = tpu.vector_load_idx %arg5[%parallel_loop3A_272] : memref<16384xf32, #tpu.memory_space<vmem>>[vector<16xi32>], vector<16xf32>,
      tpu.vector_store_idx %arg7[%parallel_loop3A_256, %add3A_119], %parallel_loop3A_273 : memref<128x128xf32, #tpu.memory_space<vmem>>[vector<16xi32>, vector<16xi32>], vector<16xf32>,
      %parallel_loop3A_274 = arith.addi %parallel_loop3A_259, %add3A_132 : vector<16xi32>
      %parallel_loop3A_275 = tpu.vector_load_idx %arg5[%parallel_loop3A_274] : memref<16384xf32, #tpu.memory_space<vmem>>[vector<16xi32>], vector<16xf32>,
      tpu.vector_store_idx %arg7[%parallel_loop3A_256, %add3A_136], %parallel_loop3A_275 : memref<128x128xf32, #tpu.memory_space<vmem>>[vector<16xi32>, vector<16xi32>], vector<16xf32>,
      %parallel_loop3A_276 = arith.constant 1 : i32
      %parallel_loop3A_277 = vector.broadcast %parallel_loop3A_276 : i32 to vector<16xi32>
      %parallel_loop3A_278 = arith.addi %parallel_loop3A_256, %parallel_loop3A_277 : vector<16xi32>
      scf.yield %parallel_loop3A_278 : vector<16xi32>
    } {sc.loop_unroll_factor = 1 : i64, sc.parallel_access}
    %add3A_181 = arith.constant 128 : i32
    %add3A_182 = arith.addi %mul3A_2, %add3A_181 : i32
    %dma_start3A_183 = arith.constant 0 : i32
    %dma_start3A_184 = tpu.memref_slice %arg3[%add3A_182, %dma_start3A_183] : memref<131072x128xf32, #tpu.memory_space<hbm>> -> memref<128x128xf32, #tpu.memory_space<hbm>>
    %dma_start3A_185 = arith.constant 0 : i32
    %dma_start3A_186 = tpu.memref_slice %arg3[%add3A_182, %dma_start3A_185] : memref<131072x128xf32, #tpu.memory_space<hbm>> -> memref<128x128xf32, #tpu.memory_space<hbm>>
    tpu.enqueue_dma source(%arg7 : memref<128x128xf32, #tpu.memory_space<vmem>>) target(%dma_start3A_186 : memref<128x128xf32, #tpu.memory_space<hbm>>) target_semaphore(%arg11 : memref<!tpu.dma_semaphore, #tpu.memory_space<semaphore_mem>>)
    %add3A_187 = arith.constant 384 : i32
    %add3A_188 = arith.addi %mul3A_2, %add3A_187 : i32
    %mul3A_189 = arith.constant 128 : i32
    %mul3A_190 = arith.muli %add3A_188, %mul3A_189 : i32
    %dma_start3A_191 = tpu.memref_slice %arg2[%mul3A_190] : memref<16777216xf32, #tpu.memory_space<hbm>> -> memref<16384xf32, #tpu.memory_space<hbm>>
    %dma_start3A_192 = tpu.memref_slice %arg2[%mul3A_190] : memref<16777216xf32, #tpu.memory_space<hbm>> -> memref<16384xf32, #tpu.memory_space<hbm>>
    tpu.enqueue_dma source(%dma_start3A_192 : memref<16384xf32, #tpu.memory_space<hbm>>) target(%arg5 : memref<16384xf32, #tpu.memory_space<vmem>>) target_semaphore(%arg9 : memref<!tpu.dma_semaphore, #tpu.memory_space<semaphore_mem>>)
    %scan3A = arith.constant 0 : i32
    %scan3A_193 = arith.constant 1 : i32
    %scan3A_194 = arith.constant 14 : i32
    %scan3A_195 = arith.addi %scan3A_193, %scan3A_194 : i32
    %scan3A_196 = arith.constant 1 : i32
    %scan3A_197 = scf.for %scan3A_255 = %scan3A_193 to %scan3A_195 step %scan3A_196 iter_args(%scan3A_256 = %scan3A) -> (i32)  : i32 {
      %mul3A_257 = arith.constant 2 : i32
      %mul3A_258 = arith.muli %scan3A_255, %mul3A_257 : i32
      %mul3A_259 = arith.constant 128 : i32
      %mul3A_260 = arith.muli %mul3A_258, %mul3A_259 : i32
      %add3A_261 = arith.addi %mul3A_2, %mul3A_260 : i32
      %mul3A_262 = arith.constant 128 : i32
      %mul3A_263 = arith.muli %add3A_261, %mul3A_262 : i32
      %dma_wait3A_264 = tpu.memref_slice %arg2[%mul3A_263] : memref<16777216xf32, #tpu.memory_space<hbm>> -> memref<16384xf32, #tpu.memory_space<hbm>>
      %dma_wait3A_265 = tpu.memref_slice %arg2[%mul3A_263] : memref<16777216xf32, #tpu.memory_space<hbm>> -> memref<16384xf32, #tpu.memory_space<hbm>>
      tpu.wait_dma2 semaphore(%arg8 : memref<!tpu.dma_semaphore, #tpu.memory_space<semaphore_mem>>) src(%dma_wait3A_265 : memref<16384xf32, #tpu.memory_space<hbm>>) dst(%arg4 : memref<16384xf32, #tpu.memory_space<vmem>>)
      %mul3A_266 = arith.constant 128 : i32
      %mul3A_267 = arith.muli %mul3A_258, %mul3A_266 : i32
      %add3A_268 = arith.addi %mul3A_2, %mul3A_267 : i32
      %dma_wait3A_269 = arith.constant 0 : i32
      %dma_wait3A_270 = tpu.memref_slice %arg3[%add3A_268, %dma_wait3A_269] : memref<131072x128xf32, #tpu.memory_space<hbm>> -> memref<128x128xf32, #tpu.memory_space<hbm>>
      %dma_wait3A_271 = arith.constant 0 : i32
      %dma_wait3A_272 = tpu.memref_slice %arg3[%add3A_268, %dma_wait3A_271] : memref<131072x128xf32, #tpu.memory_space<hbm>> -> memref<128x128xf32, #tpu.memory_space<hbm>>
      tpu.wait_dma2 semaphore(%arg10 : memref<!tpu.dma_semaphore, #tpu.memory_space<semaphore_mem>>) src(%arg6 : memref<128x128xf32, #tpu.memory_space<vmem>>) dst(%dma_wait3A_272 : memref<128x128xf32, #tpu.memory_space<hbm>>)
      %parallel_loop3A_273 = arith.constant 0 : i32
      %parallel_loop3A_274 = arith.constant 128 : i32
      %parallel_loop3A_275 = arith.constant 1 : i32
      %parallel_loop3A_276 = scf.for %parallel_loop3A_330 = %parallel_loop3A_273 to %parallel_loop3A_274 step %parallel_loop3A_275 iter_args(%parallel_loop3A_331 = %and3A_139) -> (vector<16xi32>)  : i32 {
        %parallel_loop3A_332 = arith.constant 128 : i32
        %parallel_loop3A_333 = vector.broadcast %parallel_loop3A_332 : i32 to vector<16xi32>
        %parallel_loop3A_334 = arith.muli %parallel_loop3A_331, %parallel_loop3A_333 : vector<16xi32>
        %parallel_loop3A_335 = arith.addi %parallel_loop3A_334, %add3A_13 : vector<16xi32>
        %parallel_loop3A_336 = tpu.vector_load_idx %arg4[%parallel_loop3A_335] : memref<16384xf32, #tpu.memory_space<vmem>>[vector<16xi32>], vector<16xf32>,
        tpu.vector_store_idx %arg6[%parallel_loop3A_331, %add3A_17], %parallel_loop3A_336 : memref<128x128xf32, #tpu.memory_space<vmem>>[vector<16xi32>, vector<16xi32>], vector<16xf32>,
        %parallel_loop3A_337 = arith.addi %parallel_loop3A_334, %add3A_30 : vector<16xi32>
        %parallel_loop3A_338 = tpu.vector_load_idx %arg4[%parallel_loop3A_337] : memref<16384xf32, #tpu.memory_space<vmem>>[vector<16xi32>], vector<16xf32>,
        tpu.vector_store_idx %arg6[%parallel_loop3A_331, %add3A_34], %parallel_loop3A_338 : memref<128x128xf32, #tpu.memory_space<vmem>>[vector<16xi32>, vector<16xi32>], vector<16xf32>,
        %parallel_loop3A_339 = arith.addi %parallel_loop3A_334, %add3A_47 : vector<16xi32>
        %parallel_loop3A_340 = tpu.vector_load_idx %arg4[%parallel_loop3A_339] : memref<16384xf32, #tpu.memory_space<vmem>>[vector<16xi32>], vector<16xf32>,
        tpu.vector_store_idx %arg6[%parallel_loop3A_331, %add3A_51], %parallel_loop3A_340 : memref<128x128xf32, #tpu.memory_space<vmem>>[vector<16xi32>, vector<16xi32>], vector<16xf32>,
        %parallel_loop3A_341 = arith.addi %parallel_loop3A_334, %add3A_64 : vector<16xi32>
        %parallel_loop3A_342 = tpu.vector_load_idx %arg4[%parallel_loop3A_341] : memref<16384xf32, #tpu.memory_space<vmem>>[vector<16xi32>], vector<16xf32>,
        tpu.vector_store_idx %arg6[%parallel_loop3A_331, %add3A_68], %parallel_loop3A_342 : memref<128x128xf32, #tpu.memory_space<vmem>>[vector<16xi32>, vector<16xi32>], vector<16xf32>,
        %parallel_loop3A_343 = arith.addi %parallel_loop3A_334, %add3A_81 : vector<16xi32>
        %parallel_loop3A_344 = tpu.vector_load_idx %arg4[%parallel_loop3A_343] : memref<16384xf32, #tpu.memory_space<vmem>>[vector<16xi32>], vector<16xf32>,
        tpu.vector_store_idx %arg6[%parallel_loop3A_331, %add3A_85], %parallel_loop3A_344 : memref<128x128xf32, #tpu.memory_space<vmem>>[vector<16xi32>, vector<16xi32>], vector<16xf32>,
        %parallel_loop3A_345 = arith.addi %parallel_loop3A_334, %add3A_98 : vector<16xi32>
        %parallel_loop3A_346 = tpu.vector_load_idx %arg4[%parallel_loop3A_345] : memref<16384xf32, #tpu.memory_space<vmem>>[vector<16xi32>], vector<16xf32>,
        tpu.vector_store_idx %arg6[%parallel_loop3A_331, %add3A_102], %parallel_loop3A_346 : memref<128x128xf32, #tpu.memory_space<vmem>>[vector<16xi32>, vector<16xi32>], vector<16xf32>,
        %parallel_loop3A_347 = arith.addi %parallel_loop3A_334, %add3A_115 : vector<16xi32>
        %parallel_loop3A_348 = tpu.vector_load_idx %arg4[%parallel_loop3A_347] : memref<16384xf32, #tpu.memory_space<vmem>>[vector<16xi32>], vector<16xf32>,
        tpu.vector_store_idx %arg6[%parallel_loop3A_331, %add3A_119], %parallel_loop3A_348 : memref<128x128xf32, #tpu.memory_space<vmem>>[vector<16xi32>, vector<16xi32>], vector<16xf32>,
        %parallel_loop3A_349 = arith.addi %parallel_loop3A_334, %add3A_132 : vector<16xi32>
        %parallel_loop3A_350 = tpu.vector_load_idx %arg4[%parallel_loop3A_349] : memref<16384xf32, #tpu.memory_space<vmem>>[vector<16xi32>], vector<16xf32>,
        tpu.vector_store_idx %arg6[%parallel_loop3A_331, %add3A_136], %parallel_loop3A_350 : memref<128x128xf32, #tpu.memory_space<vmem>>[vector<16xi32>, vector<16xi32>], vector<16xf32>,
        %parallel_loop3A_351 = arith.constant 1 : i32
        %parallel_loop3A_352 = vector.broadcast %parallel_loop3A_351 : i32 to vector<16xi32>
        %parallel_loop3A_353 = arith.addi %parallel_loop3A_331, %parallel_loop3A_352 : vector<16xi32>
        scf.yield %parallel_loop3A_353 : vector<16xi32>
      } {sc.loop_unroll_factor = 1 : i64, sc.parallel_access}
      %mul3A_277 = arith.constant 128 : i32
      %mul3A_278 = arith.muli %mul3A_258, %mul3A_277 : i32
      %add3A_279 = arith.addi %mul3A_2, %mul3A_278 : i32
      %dma_start3A_280 = arith.constant 0 : i32
      %dma_start3A_281 = tpu.memref_slice %arg3[%add3A_279, %dma_start3A_280] : memref<131072x128xf32, #tpu.memory_space<hbm>> -> memref<128x128xf32, #tpu.memory_space<hbm>>
      %dma_start3A_282 = arith.constant 0 : i32
      %dma_start3A_283 = tpu.memref_slice %arg3[%add3A_279, %dma_start3A_282] : memref<131072x128xf32, #tpu.memory_space<hbm>> -> memref<128x128xf32, #tpu.memory_space<hbm>>
      tpu.enqueue_dma source(%arg6 : memref<128x128xf32, #tpu.memory_space<vmem>>) target(%dma_start3A_283 : memref<128x128xf32, #tpu.memory_space<hbm>>) target_semaphore(%arg10 : memref<!tpu.dma_semaphore, #tpu.memory_space<semaphore_mem>>)
      %add3A_284 = arith.constant 2 : i32
      %add3A_285 = arith.addi %mul3A_258, %add3A_284 : i32
      %mul3A_286 = arith.constant 128 : i32
      %mul3A_287 = arith.muli %add3A_285, %mul3A_286 : i32
      %add3A_288 = arith.addi %mul3A_2, %mul3A_287 : i32
      %mul3A_289 = arith.constant 128 : i32
      %mul3A_290 = arith.muli %add3A_288, %mul3A_289 : i32
      %dma_start3A_291 = tpu.memref_slice %arg2[%mul3A_290] : memref<16777216xf32, #tpu.memory_space<hbm>> -> memref<16384xf32, #tpu.memory_space<hbm>>
      %dma_start3A_292 = tpu.memref_slice %arg2[%mul3A_290] : memref<16777216xf32, #tpu.memory_space<hbm>> -> memref<16384xf32, #tpu.memory_space<hbm>>
      tpu.enqueue_dma source(%dma_start3A_292 : memref<16384xf32, #tpu.memory_space<hbm>>) target(%arg4 : memref<16384xf32, #tpu.memory_space<vmem>>) target_semaphore(%arg8 : memref<!tpu.dma_semaphore, #tpu.memory_space<semaphore_mem>>)
      %add3A_293 = arith.constant 1 : i32
      %add3A_294 = arith.addi %mul3A_258, %add3A_293 : i32
      %mul3A_295 = arith.constant 128 : i32
      %mul3A_296 = arith.muli %add3A_294, %mul3A_295 : i32
      %add3A_297 = arith.addi %mul3A_2, %mul3A_296 : i32
      %mul3A_298 = arith.constant 128 : i32
      %mul3A_299 = arith.muli %add3A_297, %mul3A_298 : i32
      %dma_wait3A_300 = tpu.memref_slice %arg2[%mul3A_299] : memref<16777216xf32, #tpu.memory_space<hbm>> -> memref<16384xf32, #tpu.memory_space<hbm>>
      %dma_wait3A_301 = tpu.memref_slice %arg2[%mul3A_299] : memref<16777216xf32, #tpu.memory_space<hbm>> -> memref<16384xf32, #tpu.memory_space<hbm>>
      tpu.wait_dma2 semaphore(%arg9 : memref<!tpu.dma_semaphore, #tpu.memory_space<semaphore_mem>>) src(%dma_wait3A_301 : memref<16384xf32, #tpu.memory_space<hbm>>) dst(%arg5 : memref<16384xf32, #tpu.memory_space<vmem>>)
      %mul3A_302 = arith.constant 128 : i32
      %mul3A_303 = arith.muli %add3A_294, %mul3A_302 : i32
      %add3A_304 = arith.addi %mul3A_2, %mul3A_303 : i32
      %dma_wait3A_305 = arith.constant 0 : i32
      %dma_wait3A_306 = tpu.memref_slice %arg3[%add3A_304, %dma_wait3A_305] : memref<131072x128xf32, #tpu.memory_space<hbm>> -> memref<128x128xf32, #tpu.memory_space<hbm>>
      %dma_wait3A_307 = arith.constant 0 : i32
      %dma_wait3A_308 = tpu.memref_slice %arg3[%add3A_304, %dma_wait3A_307] : memref<131072x128xf32, #tpu.memory_space<hbm>> -> memref<128x128xf32, #tpu.memory_space<hbm>>
      tpu.wait_dma2 semaphore(%arg11 : memref<!tpu.dma_semaphore, #tpu.memory_space<semaphore_mem>>) src(%arg7 : memref<128x128xf32, #tpu.memory_space<vmem>>) dst(%dma_wait3A_308 : memref<128x128xf32, #tpu.memory_space<hbm>>)
      %parallel_loop3A_309 = arith.constant 0 : i32
      %parallel_loop3A_310 = arith.constant 128 : i32
      %parallel_loop3A_311 = arith.constant 1 : i32
      %parallel_loop3A_312 = scf.for %parallel_loop3A_330 = %parallel_loop3A_309 to %parallel_loop3A_310 step %parallel_loop3A_311 iter_args(%parallel_loop3A_331 = %and3A_139) -> (vector<16xi32>)  : i32 {
        %parallel_loop3A_332 = arith.constant 128 : i32
        %parallel_loop3A_333 = vector.broadcast %parallel_loop3A_332 : i32 to vector<16xi32>
        %parallel_loop3A_334 = arith.muli %parallel_loop3A_331, %parallel_loop3A_333 : vector<16xi32>
        %parallel_loop3A_335 = arith.addi %parallel_loop3A_334, %add3A_13 : vector<16xi32>
        %parallel_loop3A_336 = tpu.vector_load_idx %arg5[%parallel_loop3A_335] : memref<16384xf32, #tpu.memory_space<vmem>>[vector<16xi32>], vector<16xf32>,
        tpu.vector_store_idx %arg7[%parallel_loop3A_331, %add3A_17], %parallel_loop3A_336 : memref<128x128xf32, #tpu.memory_space<vmem>>[vector<16xi32>, vector<16xi32>], vector<16xf32>,
        %parallel_loop3A_337 = arith.addi %parallel_loop3A_334, %add3A_30 : vector<16xi32>
        %parallel_loop3A_338 = tpu.vector_load_idx %arg5[%parallel_loop3A_337] : memref<16384xf32, #tpu.memory_space<vmem>>[vector<16xi32>], vector<16xf32>,
        tpu.vector_store_idx %arg7[%parallel_loop3A_331, %add3A_34], %parallel_loop3A_338 : memref<128x128xf32, #tpu.memory_space<vmem>>[vector<16xi32>, vector<16xi32>], vector<16xf32>,
        %parallel_loop3A_339 = arith.addi %parallel_loop3A_334, %add3A_47 : vector<16xi32>
        %parallel_loop3A_340 = tpu.vector_load_idx %arg5[%parallel_loop3A_339] : memref<16384xf32, #tpu.memory_space<vmem>>[vector<16xi32>], vector<16xf32>,
        tpu.vector_store_idx %arg7[%parallel_loop3A_331, %add3A_51], %parallel_loop3A_340 : memref<128x128xf32, #tpu.memory_space<vmem>>[vector<16xi32>, vector<16xi32>], vector<16xf32>,
        %parallel_loop3A_341 = arith.addi %parallel_loop3A_334, %add3A_64 : vector<16xi32>
        %parallel_loop3A_342 = tpu.vector_load_idx %arg5[%parallel_loop3A_341] : memref<16384xf32, #tpu.memory_space<vmem>>[vector<16xi32>], vector<16xf32>,
        tpu.vector_store_idx %arg7[%parallel_loop3A_331, %add3A_68], %parallel_loop3A_342 : memref<128x128xf32, #tpu.memory_space<vmem>>[vector<16xi32>, vector<16xi32>], vector<16xf32>,
        %parallel_loop3A_343 = arith.addi %parallel_loop3A_334, %add3A_81 : vector<16xi32>
        %parallel_loop3A_344 = tpu.vector_load_idx %arg5[%parallel_loop3A_343] : memref<16384xf32, #tpu.memory_space<vmem>>[vector<16xi32>], vector<16xf32>,
        tpu.vector_store_idx %arg7[%parallel_loop3A_331, %add3A_85], %parallel_loop3A_344 : memref<128x128xf32, #tpu.memory_space<vmem>>[vector<16xi32>, vector<16xi32>], vector<16xf32>,
        %parallel_loop3A_345 = arith.addi %parallel_loop3A_334, %add3A_98 : vector<16xi32>
        %parallel_loop3A_346 = tpu.vector_load_idx %arg5[%parallel_loop3A_345] : memref<16384xf32, #tpu.memory_space<vmem>>[vector<16xi32>], vector<16xf32>,
        tpu.vector_store_idx %arg7[%parallel_loop3A_331, %add3A_102], %parallel_loop3A_346 : memref<128x128xf32, #tpu.memory_space<vmem>>[vector<16xi32>, vector<16xi32>], vector<16xf32>,
        %parallel_loop3A_347 = arith.addi %parallel_loop3A_334, %add3A_115 : vector<16xi32>
        %parallel_loop3A_348 = tpu.vector_load_idx %arg5[%parallel_loop3A_347] : memref<16384xf32, #tpu.memory_space<vmem>>[vector<16xi32>], vector<16xf32>,
        tpu.vector_store_idx %arg7[%parallel_loop3A_331, %add3A_119], %parallel_loop3A_348 : memref<128x128xf32, #tpu.memory_space<vmem>>[vector<16xi32>, vector<16xi32>], vector<16xf32>,
        %parallel_loop3A_349 = arith.addi %parallel_loop3A_334, %add3A_132 : vector<16xi32>
        %parallel_loop3A_350 = tpu.vector_load_idx %arg5[%parallel_loop3A_349] : memref<16384xf32, #tpu.memory_space<vmem>>[vector<16xi32>], vector<16xf32>,
        tpu.vector_store_idx %arg7[%parallel_loop3A_331, %add3A_136], %parallel_loop3A_350 : memref<128x128xf32, #tpu.memory_space<vmem>>[vector<16xi32>, vector<16xi32>], vector<16xf32>,
        %parallel_loop3A_351 = arith.constant 1 : i32
        %parallel_loop3A_352 = vector.broadcast %parallel_loop3A_351 : i32 to vector<16xi32>
        %parallel_loop3A_353 = arith.addi %parallel_loop3A_331, %parallel_loop3A_352 : vector<16xi32>
        scf.yield %parallel_loop3A_353 : vector<16xi32>
      } {sc.loop_unroll_factor = 1 : i64, sc.parallel_access}
      %mul3A_313 = arith.constant 128 : i32
      %mul3A_314 = arith.muli %add3A_294, %mul3A_313 : i32
      %add3A_315 = arith.addi %mul3A_2, %mul3A_314 : i32
      %dma_start3A_316 = arith.constant 0 : i32
      %dma_start3A_317 = tpu.memref_slice %arg3[%add3A_315, %dma_start3A_316] : memref<131072x128xf32, #tpu.memory_space<hbm>> -> memref<128x128xf32, #tpu.memory_space<hbm>>
      %dma_start3A_318 = arith.constant 0 : i32
      %dma_start3A_319 = tpu.memref_slice %arg3[%add3A_315, %dma_start3A_318] : memref<131072x128xf32, #tpu.memory_space<hbm>> -> memref<128x128xf32, #tpu.memory_space<hbm>>
      tpu.enqueue_dma source(%arg7 : memref<128x128xf32, #tpu.memory_space<vmem>>) target(%dma_start3A_319 : memref<128x128xf32, #tpu.memory_space<hbm>>) target_semaphore(%arg11 : memref<!tpu.dma_semaphore, #tpu.memory_space<semaphore_mem>>)
      %add3A_320 = arith.constant 2 : i32
      %add3A_321 = arith.addi %add3A_294, %add3A_320 : i32
      %mul3A_322 = arith.constant 128 : i32
      %mul3A_323 = arith.muli %add3A_321, %mul3A_322 : i32
      %add3A_324 = arith.addi %mul3A_2, %mul3A_323 : i32
      %mul3A_325 = arith.constant 128 : i32
      %mul3A_326 = arith.muli %add3A_324, %mul3A_325 : i32
      %dma_start3A_327 = tpu.memref_slice %arg2[%mul3A_326] : memref<16777216xf32, #tpu.memory_space<hbm>> -> memref<16384xf32, #tpu.memory_space<hbm>>
      %dma_start3A_328 = tpu.memref_slice %arg2[%mul3A_326] : memref<16777216xf32, #tpu.memory_space<hbm>> -> memref<16384xf32, #tpu.memory_space<hbm>>
      tpu.enqueue_dma source(%dma_start3A_328 : memref<16384xf32, #tpu.memory_space<hbm>>) target(%arg5 : memref<16384xf32, #tpu.memory_space<vmem>>) target_semaphore(%arg9 : memref<!tpu.dma_semaphore, #tpu.memory_space<semaphore_mem>>)
      %scan3A_329 = arith.constant 0 : i32
      scf.yield %scan3A_329 : i32
    }
    %scan3A_198 = arith.constant 14 : i32
    %add3A_199 = arith.constant 3840 : i32
    %add3A_200 = arith.addi %mul3A_2, %add3A_199 : i32
    %mul3A_201 = arith.constant 128 : i32
    %mul3A_202 = arith.muli %add3A_200, %mul3A_201 : i32
    %dma_wait3A_203 = tpu.memref_slice %arg2[%mul3A_202] : memref<16777216xf32, #tpu.memory_space<hbm>> -> memref<16384xf32, #tpu.memory_space<hbm>>
    %dma_wait3A_204 = tpu.memref_slice %arg2[%mul3A_202] : memref<16777216xf32, #tpu.memory_space<hbm>> -> memref<16384xf32, #tpu.memory_space<hbm>>
    tpu.wait_dma2 semaphore(%arg8 : memref<!tpu.dma_semaphore, #tpu.memory_space<semaphore_mem>>) src(%dma_wait3A_204 : memref<16384xf32, #tpu.memory_space<hbm>>) dst(%arg4 : memref<16384xf32, #tpu.memory_space<vmem>>)
    %add3A_205 = arith.constant 3840 : i32
    %add3A_206 = arith.addi %mul3A_2, %add3A_205 : i32
    %dma_wait3A_207 = arith.constant 0 : i32
    %dma_wait3A_208 = tpu.memref_slice %arg3[%add3A_206, %dma_wait3A_207] : memref<131072x128xf32, #tpu.memory_space<hbm>> -> memref<128x128xf32, #tpu.memory_space<hbm>>
    %dma_wait3A_209 = arith.constant 0 : i32
    %dma_wait3A_210 = tpu.memref_slice %arg3[%add3A_206, %dma_wait3A_209] : memref<131072x128xf32, #tpu.memory_space<hbm>> -> memref<128x128xf32, #tpu.memory_space<hbm>>
    tpu.wait_dma2 semaphore(%arg10 : memref<!tpu.dma_semaphore, #tpu.memory_space<semaphore_mem>>) src(%arg6 : memref<128x128xf32, #tpu.memory_space<vmem>>) dst(%dma_wait3A_210 : memref<128x128xf32, #tpu.memory_space<hbm>>)
    %parallel_loop3A_211 = arith.constant 0 : i32
    %parallel_loop3A_212 = arith.constant 128 : i32
    %parallel_loop3A_213 = arith.constant 1 : i32
    %parallel_loop3A_214 = scf.for %parallel_loop3A_255 = %parallel_loop3A_211 to %parallel_loop3A_212 step %parallel_loop3A_213 iter_args(%parallel_loop3A_256 = %and3A_139) -> (vector<16xi32>)  : i32 {
      %parallel_loop3A_257 = arith.constant 128 : i32
      %parallel_loop3A_258 = vector.broadcast %parallel_loop3A_257 : i32 to vector<16xi32>
      %parallel_loop3A_259 = arith.muli %parallel_loop3A_256, %parallel_loop3A_258 : vector<16xi32>
      %parallel_loop3A_260 = arith.addi %parallel_loop3A_259, %add3A_13 : vector<16xi32>
      %parallel_loop3A_261 = tpu.vector_load_idx %arg4[%parallel_loop3A_260] : memref<16384xf32, #tpu.memory_space<vmem>>[vector<16xi32>], vector<16xf32>,
      tpu.vector_store_idx %arg6[%parallel_loop3A_256, %add3A_17], %parallel_loop3A_261 : memref<128x128xf32, #tpu.memory_space<vmem>>[vector<16xi32>, vector<16xi32>], vector<16xf32>,
      %parallel_loop3A_262 = arith.addi %parallel_loop3A_259, %add3A_30 : vector<16xi32>
      %parallel_loop3A_263 = tpu.vector_load_idx %arg4[%parallel_loop3A_262] : memref<16384xf32, #tpu.memory_space<vmem>>[vector<16xi32>], vector<16xf32>,
      tpu.vector_store_idx %arg6[%parallel_loop3A_256, %add3A_34], %parallel_loop3A_263 : memref<128x128xf32, #tpu.memory_space<vmem>>[vector<16xi32>, vector<16xi32>], vector<16xf32>,
      %parallel_loop3A_264 = arith.addi %parallel_loop3A_259, %add3A_47 : vector<16xi32>
      %parallel_loop3A_265 = tpu.vector_load_idx %arg4[%parallel_loop3A_264] : memref<16384xf32, #tpu.memory_space<vmem>>[vector<16xi32>], vector<16xf32>,
      tpu.vector_store_idx %arg6[%parallel_loop3A_256, %add3A_51], %parallel_loop3A_265 : memref<128x128xf32, #tpu.memory_space<vmem>>[vector<16xi32>, vector<16xi32>], vector<16xf32>,
      %parallel_loop3A_266 = arith.addi %parallel_loop3A_259, %add3A_64 : vector<16xi32>
      %parallel_loop3A_267 = tpu.vector_load_idx %arg4[%parallel_loop3A_266] : memref<16384xf32, #tpu.memory_space<vmem>>[vector<16xi32>], vector<16xf32>,
      tpu.vector_store_idx %arg6[%parallel_loop3A_256, %add3A_68], %parallel_loop3A_267 : memref<128x128xf32, #tpu.memory_space<vmem>>[vector<16xi32>, vector<16xi32>], vector<16xf32>,
      %parallel_loop3A_268 = arith.addi %parallel_loop3A_259, %add3A_81 : vector<16xi32>
      %parallel_loop3A_269 = tpu.vector_load_idx %arg4[%parallel_loop3A_268] : memref<16384xf32, #tpu.memory_space<vmem>>[vector<16xi32>], vector<16xf32>,
      tpu.vector_store_idx %arg6[%parallel_loop3A_256, %add3A_85], %parallel_loop3A_269 : memref<128x128xf32, #tpu.memory_space<vmem>>[vector<16xi32>, vector<16xi32>], vector<16xf32>,
      %parallel_loop3A_270 = arith.addi %parallel_loop3A_259, %add3A_98 : vector<16xi32>
      %parallel_loop3A_271 = tpu.vector_load_idx %arg4[%parallel_loop3A_270] : memref<16384xf32, #tpu.memory_space<vmem>>[vector<16xi32>], vector<16xf32>,
      tpu.vector_store_idx %arg6[%parallel_loop3A_256, %add3A_102], %parallel_loop3A_271 : memref<128x128xf32, #tpu.memory_space<vmem>>[vector<16xi32>, vector<16xi32>], vector<16xf32>,
      %parallel_loop3A_272 = arith.addi %parallel_loop3A_259, %add3A_115 : vector<16xi32>
      %parallel_loop3A_273 = tpu.vector_load_idx %arg4[%parallel_loop3A_272] : memref<16384xf32, #tpu.memory_space<vmem>>[vector<16xi32>], vector<16xf32>,
      tpu.vector_store_idx %arg6[%parallel_loop3A_256, %add3A_119], %parallel_loop3A_273 : memref<128x128xf32, #tpu.memory_space<vmem>>[vector<16xi32>, vector<16xi32>], vector<16xf32>,
      %parallel_loop3A_274 = arith.addi %parallel_loop3A_259, %add3A_132 : vector<16xi32>
      %parallel_loop3A_275 = tpu.vector_load_idx %arg4[%parallel_loop3A_274] : memref<16384xf32, #tpu.memory_space<vmem>>[vector<16xi32>], vector<16xf32>,
      tpu.vector_store_idx %arg6[%parallel_loop3A_256, %add3A_136], %parallel_loop3A_275 : memref<128x128xf32, #tpu.memory_space<vmem>>[vector<16xi32>, vector<16xi32>], vector<16xf32>,
      %parallel_loop3A_276 = arith.constant 1 : i32
      %parallel_loop3A_277 = vector.broadcast %parallel_loop3A_276 : i32 to vector<16xi32>
      %parallel_loop3A_278 = arith.addi %parallel_loop3A_256, %parallel_loop3A_277 : vector<16xi32>
      scf.yield %parallel_loop3A_278 : vector<16xi32>
    } {sc.loop_unroll_factor = 1 : i64, sc.parallel_access}
    %add3A_215 = arith.constant 3840 : i32
    %add3A_216 = arith.addi %mul3A_2, %add3A_215 : i32
    %dma_start3A_217 = arith.constant 0 : i32
    %dma_start3A_218 = tpu.memref_slice %arg3[%add3A_216, %dma_start3A_217] : memref<131072x128xf32, #tpu.memory_space<hbm>> -> memref<128x128xf32, #tpu.memory_space<hbm>>
    %dma_start3A_219 = arith.constant 0 : i32
    %dma_start3A_220 = tpu.memref_slice %arg3[%add3A_216, %dma_start3A_219] : memref<131072x128xf32, #tpu.memory_space<hbm>> -> memref<128x128xf32, #tpu.memory_space<hbm>>
    tpu.enqueue_dma source(%arg6 : memref<128x128xf32, #tpu.memory_space<vmem>>) target(%dma_start3A_220 : memref<128x128xf32, #tpu.memory_space<hbm>>) target_semaphore(%arg10 : memref<!tpu.dma_semaphore, #tpu.memory_space<semaphore_mem>>)
    %add3A_221 = arith.constant 3968 : i32
    %add3A_222 = arith.addi %mul3A_2, %add3A_221 : i32
    %mul3A_223 = arith.constant 128 : i32
    %mul3A_224 = arith.muli %add3A_222, %mul3A_223 : i32
    %dma_wait3A_225 = tpu.memref_slice %arg2[%mul3A_224] : memref<16777216xf32, #tpu.memory_space<hbm>> -> memref<16384xf32, #tpu.memory_space<hbm>>
    %dma_wait3A_226 = tpu.memref_slice %arg2[%mul3A_224] : memref<16777216xf32, #tpu.memory_space<hbm>> -> memref<16384xf32, #tpu.memory_space<hbm>>
    tpu.wait_dma2 semaphore(%arg9 : memref<!tpu.dma_semaphore, #tpu.memory_space<semaphore_mem>>) src(%dma_wait3A_226 : memref<16384xf32, #tpu.memory_space<hbm>>) dst(%arg5 : memref<16384xf32, #tpu.memory_space<vmem>>)
    %add3A_227 = arith.constant 3968 : i32
    %add3A_228 = arith.addi %mul3A_2, %add3A_227 : i32
    %dma_wait3A_229 = arith.constant 0 : i32
    %dma_wait3A_230 = tpu.memref_slice %arg3[%add3A_228, %dma_wait3A_229] : memref<131072x128xf32, #tpu.memory_space<hbm>> -> memref<128x128xf32, #tpu.memory_space<hbm>>
    %dma_wait3A_231 = arith.constant 0 : i32
    %dma_wait3A_232 = tpu.memref_slice %arg3[%add3A_228, %dma_wait3A_231] : memref<131072x128xf32, #tpu.memory_space<hbm>> -> memref<128x128xf32, #tpu.memory_space<hbm>>
    tpu.wait_dma2 semaphore(%arg11 : memref<!tpu.dma_semaphore, #tpu.memory_space<semaphore_mem>>) src(%arg7 : memref<128x128xf32, #tpu.memory_space<vmem>>) dst(%dma_wait3A_232 : memref<128x128xf32, #tpu.memory_space<hbm>>)
    %parallel_loop3A_233 = arith.constant 0 : i32
    %parallel_loop3A_234 = arith.constant 128 : i32
    %parallel_loop3A_235 = arith.constant 1 : i32
    %parallel_loop3A_236 = scf.for %parallel_loop3A_255 = %parallel_loop3A_233 to %parallel_loop3A_234 step %parallel_loop3A_235 iter_args(%parallel_loop3A_256 = %and3A_139) -> (vector<16xi32>)  : i32 {
      %parallel_loop3A_257 = arith.constant 128 : i32
      %parallel_loop3A_258 = vector.broadcast %parallel_loop3A_257 : i32 to vector<16xi32>
      %parallel_loop3A_259 = arith.muli %parallel_loop3A_256, %parallel_loop3A_258 : vector<16xi32>
      %parallel_loop3A_260 = arith.addi %parallel_loop3A_259, %add3A_13 : vector<16xi32>
      %parallel_loop3A_261 = tpu.vector_load_idx %arg5[%parallel_loop3A_260] : memref<16384xf32, #tpu.memory_space<vmem>>[vector<16xi32>], vector<16xf32>,
      tpu.vector_store_idx %arg7[%parallel_loop3A_256, %add3A_17], %parallel_loop3A_261 : memref<128x128xf32, #tpu.memory_space<vmem>>[vector<16xi32>, vector<16xi32>], vector<16xf32>,
      %parallel_loop3A_262 = arith.addi %parallel_loop3A_259, %add3A_30 : vector<16xi32>
      %parallel_loop3A_263 = tpu.vector_load_idx %arg5[%parallel_loop3A_262] : memref<16384xf32, #tpu.memory_space<vmem>>[vector<16xi32>], vector<16xf32>,
      tpu.vector_store_idx %arg7[%parallel_loop3A_256, %add3A_34], %parallel_loop3A_263 : memref<128x128xf32, #tpu.memory_space<vmem>>[vector<16xi32>, vector<16xi32>], vector<16xf32>,
      %parallel_loop3A_264 = arith.addi %parallel_loop3A_259, %add3A_47 : vector<16xi32>
      %parallel_loop3A_265 = tpu.vector_load_idx %arg5[%parallel_loop3A_264] : memref<16384xf32, #tpu.memory_space<vmem>>[vector<16xi32>], vector<16xf32>,
      tpu.vector_store_idx %arg7[%parallel_loop3A_256, %add3A_51], %parallel_loop3A_265 : memref<128x128xf32, #tpu.memory_space<vmem>>[vector<16xi32>, vector<16xi32>], vector<16xf32>,
      %parallel_loop3A_266 = arith.addi %parallel_loop3A_259, %add3A_64 : vector<16xi32>
      %parallel_loop3A_267 = tpu.vector_load_idx %arg5[%parallel_loop3A_266] : memref<16384xf32, #tpu.memory_space<vmem>>[vector<16xi32>], vector<16xf32>,
      tpu.vector_store_idx %arg7[%parallel_loop3A_256, %add3A_68], %parallel_loop3A_267 : memref<128x128xf32, #tpu.memory_space<vmem>>[vector<16xi32>, vector<16xi32>], vector<16xf32>,
      %parallel_loop3A_268 = arith.addi %parallel_loop3A_259, %add3A_81 : vector<16xi32>
      %parallel_loop3A_269 = tpu.vector_load_idx %arg5[%parallel_loop3A_268] : memref<16384xf32, #tpu.memory_space<vmem>>[vector<16xi32>], vector<16xf32>,
      tpu.vector_store_idx %arg7[%parallel_loop3A_256, %add3A_85], %parallel_loop3A_269 : memref<128x128xf32, #tpu.memory_space<vmem>>[vector<16xi32>, vector<16xi32>], vector<16xf32>,
      %parallel_loop3A_270 = arith.addi %parallel_loop3A_259, %add3A_98 : vector<16xi32>
      %parallel_loop3A_271 = tpu.vector_load_idx %arg5[%parallel_loop3A_270] : memref<16384xf32, #tpu.memory_space<vmem>>[vector<16xi32>], vector<16xf32>,
      tpu.vector_store_idx %arg7[%parallel_loop3A_256, %add3A_102], %parallel_loop3A_271 : memref<128x128xf32, #tpu.memory_space<vmem>>[vector<16xi32>, vector<16xi32>], vector<16xf32>,
      %parallel_loop3A_272 = arith.addi %parallel_loop3A_259, %add3A_115 : vector<16xi32>
      %parallel_loop3A_273 = tpu.vector_load_idx %arg5[%parallel_loop3A_272] : memref<16384xf32, #tpu.memory_space<vmem>>[vector<16xi32>], vector<16xf32>,
      tpu.vector_store_idx %arg7[%parallel_loop3A_256, %add3A_119], %parallel_loop3A_273 : memref<128x128xf32, #tpu.memory_space<vmem>>[vector<16xi32>, vector<16xi32>], vector<16xf32>,
      %parallel_loop3A_274 = arith.addi %parallel_loop3A_259, %add3A_132 : vector<16xi32>
      %parallel_loop3A_275 = tpu.vector_load_idx %arg5[%parallel_loop3A_274] : memref<16384xf32, #tpu.memory_space<vmem>>[vector<16xi32>], vector<16xf32>,
      tpu.vector_store_idx %arg7[%parallel_loop3A_256, %add3A_136], %parallel_loop3A_275 : memref<128x128xf32, #tpu.memory_space<vmem>>[vector<16xi32>, vector<16xi32>], vector<16xf32>,
      %parallel_loop3A_276 = arith.constant 1 : i32
      %parallel_loop3A_277 = vector.broadcast %parallel_loop3A_276 : i32 to vector<16xi32>
      %parallel_loop3A_278 = arith.addi %parallel_loop3A_256, %parallel_loop3A_277 : vector<16xi32>
      scf.yield %parallel_loop3A_278 : vector<16xi32>
    } {sc.loop_unroll_factor = 1 : i64, sc.parallel_access}
    %add3A_237 = arith.constant 3968 : i32
    %add3A_238 = arith.addi %mul3A_2, %add3A_237 : i32
    %dma_start3A_239 = arith.constant 0 : i32
    %dma_start3A_240 = tpu.memref_slice %arg3[%add3A_238, %dma_start3A_239] : memref<131072x128xf32, #tpu.memory_space<hbm>> -> memref<128x128xf32, #tpu.memory_space<hbm>>
    %dma_start3A_241 = arith.constant 0 : i32
    %dma_start3A_242 = tpu.memref_slice %arg3[%add3A_238, %dma_start3A_241] : memref<131072x128xf32, #tpu.memory_space<hbm>> -> memref<128x128xf32, #tpu.memory_space<hbm>>
    tpu.enqueue_dma source(%arg7 : memref<128x128xf32, #tpu.memory_space<vmem>>) target(%dma_start3A_242 : memref<128x128xf32, #tpu.memory_space<hbm>>) target_semaphore(%arg11 : memref<!tpu.dma_semaphore, #tpu.memory_space<semaphore_mem>>)
    %add3A_243 = arith.constant 3840 : i32
    %add3A_244 = arith.addi %mul3A_2, %add3A_243 : i32
    %dma_wait3A_245 = arith.constant 0 : i32
    %dma_wait3A_246 = tpu.memref_slice %arg3[%add3A_244, %dma_wait3A_245] : memref<131072x128xf32, #tpu.memory_space<hbm>> -> memref<128x128xf32, #tpu.memory_space<hbm>>
    %dma_wait3A_247 = arith.constant 0 : i32
    %dma_wait3A_248 = tpu.memref_slice %arg3[%add3A_244, %dma_wait3A_247] : memref<131072x128xf32, #tpu.memory_space<hbm>> -> memref<128x128xf32, #tpu.memory_space<hbm>>
    tpu.wait_dma2 semaphore(%arg10 : memref<!tpu.dma_semaphore, #tpu.memory_space<semaphore_mem>>) src(%arg6 : memref<128x128xf32, #tpu.memory_space<vmem>>) dst(%dma_wait3A_248 : memref<128x128xf32, #tpu.memory_space<hbm>>)
    %add3A_249 = arith.constant 3968 : i32
    %add3A_250 = arith.addi %mul3A_2, %add3A_249 : i32
    %dma_wait3A_251 = arith.constant 0 : i32
    %dma_wait3A_252 = tpu.memref_slice %arg3[%add3A_250, %dma_wait3A_251] : memref<131072x128xf32, #tpu.memory_space<hbm>> -> memref<128x128xf32, #tpu.memory_space<hbm>>
    %dma_wait3A_253 = arith.constant 0 : i32
    %dma_wait3A_254 = tpu.memref_slice %arg3[%add3A_250, %dma_wait3A_253] : memref<131072x128xf32, #tpu.memory_space<hbm>> -> memref<128x128xf32, #tpu.memory_space<hbm>>
    tpu.wait_dma2 semaphore(%arg11 : memref<!tpu.dma_semaphore, #tpu.memory_space<semaphore_mem>>) src(%arg7 : memref<128x128xf32, #tpu.memory_space<vmem>>) dst(%dma_wait3A_254 : memref<128x128xf32, #tpu.memory_space<hbm>>)
    return
  }
}

</mosaic_0001>

<sc_bundles>
// kernel: kernel.3.cloned.1.call-start
scs
__scs_entry_jumppad:
0x0: {  	(pc) =	sbr.rel $0x88, $3  }
0x1: {  	(tag) =	ssettag $0x0;
	lr =	simm.s32 $0x1  }
0x2: {  	[smem:$0x3F9F] =	sst lr;
	_ =	strace $0xD0000000  }
0x3: {  	_ = 	snop  }
0x4: {  	_ = 	snop  }
0x5: {  	_ = 	snop  }
0x6: {  	_ = 	snop  }
0x7: {  	_ = 	snop  }
__scs_overlays_trampoline_lowered:
0x8: {  	[smem:$0x3FAE] =	sst s0  }
0x9: {  	[smem:$0x3FAF] =	sst s1  }
0xa: {  	[smem:$0x3FB0] =	sst s2  }
0xb: {  	[smem:$0x3FB1] =	sst s3  }
0xc: {  	[smem:$0x3FB2] =	sst s4  }
0xd: {  	[smem:$0x3FB3] =	sst s5  }
0xe: {  	[smem:$0x3FB4] =	sst s6  }
0xf: {  	[smem:$0x3FB5] =	sst s7  }
0x10: {  	[smem:$0x3FB6] =	sst s8  }
0x11: {  	[smem:$0x3FB7] =	sst s9;
	s0 =	simm.s32 @!p0 $0x0  }
0x12: {  	s1 =	sld [smem:$0x3F9D];
	s0 =	simm.s32 @p0 $0x1  }
0x13: {  	[smem:$0x3FB8] =	sst s0;
	s0 =	simm.s32 @!p1 $0x0  }
0x14: {  	s2 =	sld [smem:$0x3F9C];
	s0 =	simm.s32 @p1 $0x1  }
0x15: {  	[smem:$0x3FB9] =	sst s0;
	s0 =	simm.s32 @!p2 $0x0  }
0x16: {  	s3 =	sld [smem:$0x3FDB];
	s0 =	simm.s32 @p2 $0x1  }
0x17: {  	s4 =	simm.s32 $0x1BF5;
	[smem:$0x3FBB] =	sst s0  }
0x18: {  	s0 =	sld [smem:$0x3F9E];
	_ =	swait.ge [sflag:s4], $0x0  }
0x19: {  	s7 =	sld [smem:$0x3F9F]  }
0x1a: {  	s8 =	sadd.s32 $0xFFFFE003, lr  }
0x1b: {  	s9 =	sadd.s32 $0xFFFFFEF7, lr;
	s5 =	simm.s32 $0xFFFFFFFF;
	p2 =	slt.u32 s8, $0xFFFFF086  }
0x1c: {  	p1 =	slt.u32 s9, $0xF7A;
	s5 =	simm.s32 @!p2 $0x0  }
0x1d: {  	s5 =	simm.s32 @p1 $0x1;
	p0 =	seq.s32 s7, s2  }
0x1e: {  	s7 =	smul.u32 @!p0 $0xF7A, s2;
	p2 =	seq.s32 @!p0 s5, $0x0  }
0x1f: {  	s9 =	smul.u32 $0xF7A, s1;
	s8 =	simm.s32 @!p0 $0x1BF5;
	p2 =	por !p2, p0  }
0x20: {  	[sflag:s8] =	ssyncset.s32 @!p0 $0xFFFFF086;
	s6 =	sadd.s32 @!p0 s3, s7;
	s7 =	simm.s32 @!p0 $0x108  }
0x21: {  	s3 =	sadd.s32 s3, s9;
	s6 =	sadd.s32 @!p0 $0x88, s6;
	s7 =	simm.s32 @p2 $0x1082  }
0x22: {  	[simem:s7], [sflag:s8] =	dma.local @!p0 [hbm:s6], $0xF7A  }
0x23: {  	s9 =	sor.u32 $0xD0000000, s2;
	s6 =	simm.s32 $0x108;
	_ =	swait.ge @!p0 [sflag:s8], $0x0  }
0x24: {  	s3 =	sadd.s32 $0x88, s3;
	s6 =	simm.s32 @!p1 $0x1082;
	[sflag:s4] =	ssyncset.s32 $0xFFFFF086  }
0x25: {  	[simem:s6], [sflag:s4] =	dma.local [hbm:s3], $0xF7A  }
0x26: {  	[smem:$0x3F9F] =	sst s1;
	(tag) =	ssettag s2;
	_ =	strace s9  }
0x27: {  	s1 =	sld [smem:$0x3FAF]  }
0x28: {  	s2 =	sld [smem:$0x3FB0]  }
0x29: {  	s4 =	sld [smem:$0x3FB2]  }
0x2a: {  	p0 =	seq.s32 s5, $0x0;
	s5 =	sld [smem:$0x3FB3]  }
0x2b: {  	s6 =	sld [smem:$0x3FB4]  }
0x2c: {  	s7 =	sld [smem:$0x3FB5]  }
0x2d: {  	s3 =	simm.s32 $0x108;
	s8 =	sld [smem:$0x3FB6]  }
0x2e: {  	s3 =	simm.s32 @!p0 $0x1082;
	s9 =	sld [smem:$0x3FB7]  }
0x2f: {  	lr =	sadd.s32 s0, s3;
	s0 =	sld [smem:$0x3FAE]  }
0x30: {  	s3 =	sld [smem:$0x3FB1]  }
0x31: {  	[smem:$0x3FBA] =	sst s10  }
0x32: {  	s10 =	sld [smem:$0x3FB8];
	_ =	sdelay $0x3  }
0x33: {  	p0 =	seq.s32 s10, $0x1;
	s10 =	sld [smem:$0x3FBA];
	_ =	sdelay $0x3  }
0x34: {  	[smem:$0x3FBA] =	sst s10  }
0x35: {  	s10 =	sld [smem:$0x3FB9];
	_ =	sdelay $0x3  }
0x36: {  	p1 =	seq.s32 s10, $0x1;
	s10 =	sld [smem:$0x3FBA];
	_ =	sdelay $0x3  }
0x37: {  	[smem:$0x3FBA] =	sst s10  }
0x38: {  	s10 =	sld [smem:$0x3FBB]  }
0x39: {  	_ = 	snop;
	(pc) =	sbr.ind lr, $3  }
0x3a: {  	_ = 	snop  }
0x3b: {  	_ = 	snop  }
0x3c: {  	p2 =	seq.s32 s10, $0x1;
	s10 =	sld [smem:$0x3FBA]  }
0x3d: {  	_ =	shalt  }
0x3e: {  	_ =	shalt  }
0x3f: {  	_ =	shalt  }
0x40: {  	_ =	shalt  }
0x41: {  	_ =	shalt  }
0x42: {  	_ =	shalt  }
0x43: {  	_ =	shalt  }
0x44: {  	_ =	shalt  }
0x45: {  	_ =	shalt  }
0x46: {  	_ =	shalt  }
0x47: {  	_ =	shalt  }
0x48: {  	_ =	shalt  }
0x49: {  	_ =	shalt  }
0x4a: {  	_ =	shalt  }
0x4b: {  	_ =	shalt  }
0x4c: {  	_ =	shalt  }
0x4d: {  	_ =	shalt  }
0x4e: {  	_ =	shalt  }
0x4f: {  	_ =	shalt  }
0x50: {  	_ =	shalt  }
0x51: {  	_ =	shalt  }
0x52: {  	_ =	shalt  }
0x53: {  	_ =	shalt  }
0x54: {  	_ =	shalt  }
0x55: {  	_ =	shalt  }
0x56: {  	_ =	shalt  }
0x57: {  	_ =	shalt  }
0x58: {  	_ =	shalt  }
0x59: {  	_ =	shalt  }
0x5a: {  	_ =	shalt  }
0x5b: {  	_ =	shalt  }
0x5c: {  	_ =	shalt  }
0x5d: {  	_ =	shalt  }
0x5e: {  	_ =	shalt  }
0x5f: {  	_ =	shalt  }
0x60: {  	_ =	shalt  }
0x61: {  	_ =	shalt  }
0x62: {  	_ =	shalt  }
0x63: {  	_ =	shalt  }
0x64: {  	_ =	shalt  }
0x65: {  	_ =	shalt  }
0x66: {  	_ =	shalt  }
0x67: {  	_ =	shalt  }
0x68: {  	_ =	shalt  }
0x69: {  	_ =	shalt  }
0x6a: {  	_ =	shalt  }
0x6b: {  	_ =	shalt  }
0x6c: {  	_ =	shalt  }
0x6d: {  	_ =	shalt  }
0x6e: {  	_ =	shalt  }
0x6f: {  	_ =	shalt  }
0x70: {  	_ =	shalt  }
0x71: {  	_ =	shalt  }
0x72: {  	_ =	shalt  }
0x73: {  	_ =	shalt  }
0x74: {  	_ =	shalt  }
0x75: {  	_ =	shalt  }
0x76: {  	_ =	shalt  }
0x77: {  	_ =	shalt  }
0x78: {  	_ =	shalt  }
0x79: {  	_ =	shalt  }
0x7a: {  	_ =	shalt  }
0x7b: {  	_ =	shalt  }
0x7c: {  	_ =	shalt  }
0x7d: {  	_ =	shalt  }
0x7e: {  	_ =	shalt  }
0x7f: {  	_ =	shalt  }
0x80: {  	_ =	shalt  }
0x81: {  	_ =	shalt  }
0x82: {  	_ =	shalt  }
0x83: {  	_ =	shalt  }
0x84: {  	_ =	shalt  }
0x85: {  	_ =	shalt  }
0x86: {  	_ =	shalt  }
0x87: {  	_ =	shalt  }
.Lfunc_end0:
.L_simem_size_0:
called_computation_lowered:
.L_overlay_start_0:
0x88: {  	s2 =	sld [smem:$0x3FD9]  }
0x89: {  	s3 =	sld [smem:$0x3FFE];
	_ =	sdelay $0x1  }
0x8a: {  	s1 =	srdreg.scid  }
0x8b: {  	s0 =	sand.u32 $0x1, s1  }
0x8c: {  	s14 =	sshll.u32 s0, $0xA;
	s2 =	sadd.s32 s3, s2  }
0x8d: {  	s2 =	sadd.s32 s2, s14  }
0x8e: {  	[smem:$0x3FC6] =	sst s2  }
0x8f: {  	_ = 	snop  }
0x90: {  	s2 =	sld [smem:$0x3FD0];
	_ =	sdelay $0x2  }
0x91: {  	s15 =	simm.s32 $0xA;
	s4 =	simm.s32 $0x10  }
0x92: {  	[smem:s4], [sflag:s15] =	dma.local [hbm:s2], $0x1  }
0x93: {  	_ =	swait.eq [sflag:s15], $0x1  }
0x94: {  	[sflag:s15] =	ssyncset.done $0x0  }
0x95: {  	[sflag:s15] =	ssyncadd.s32 $0xFFFFFFFF  }
0x96: {  	s16 =	sld [smem:$0x10];
	(tm) =	ssettm $0x1  }
0x97: {  	s17 =	sld [smem:$0x3FFB];
	_ =	sdelay $0x3  }
0x98: {  	_ =	strace s17  }
0x99: {  	s3 =	sld [smem:$0x3FFC];
	_ =	sdelay $0x3  }
0x9a: {  	_ =	strace s3  }
0x9b: {  	s3 =	sld [smem:$0x3FFD];
	_ =	sdelay $0x3  }
0x9c: {  	_ =	strace s3  }
0x9d: {  	_ =	strace $0x8FFFFFFF  }
0x9e: {  	s18 =	sld [smem:$0x3FDB];
	_ =	sdelay $0x1  }
0x9f: {  	s19 =	simm.s32 $_scs_section_size  }
0xa0: {  	s5 =	simm.s32 $_size__tile_overlayer_lowered;
	s6 =	simm.s32 $_tile_overlayer_lowered  }
0xa1: {  	s22 =	simm.s32 $0x1BFF;
	s21 =	sshll.u32 s6, $0x1;
	s3 =	sadd.s32 s19, s18  }
0xa2: {  	s7 =	simm.s32 $0x0;
	s20 =	sshll.u32 s5, $0x1;
	s5 =	sadd.s32 s21, s3  }
0xa3: {  	[timem:s7], [sflag:s22] =	dma.local [hbm:s5], s20  }
0xa4: {  	_ =	swait.ge [sflag:s22], s20  }
0xa5: {  	s4 =	ssub.s32 $0x0, s20;
	[sflag:s22] =	ssyncset.done $0x0  }
0xa6: {  	[sflag:s22] =	ssyncadd.s32 s4;
	_ =	sdelay $0x1  }
0xa7: {  	s23 =	simm.s32 $0x1B8B  }
0xa8: {  	_ =	swait.ge [sflag:s23], $0x1  }
0xa9: {  	[sflag:s23] =	ssyncset.done $0x0  }
0xaa: {  	s25 =	simm.s32 $0x1B8E;
	s24 =	sld [smem:$0x3FFE];
	[sflag:s23] =	ssyncadd.s32 $0xFFFFFFFF  }
0xab: {  	s26 =	simm.s32 $execute0_lowered;
	[smem:$0x3FD2] =	sst s25  }
0xac: {  	s5 =	sshll.u32 s26, $0x1;
	_ =	strace $0x80000046;
	[dreg:$0x1] =	wrdreg $0xFFFFFFFF  }
0xad: {  	s28 =	simm.s32 $_size_execute0_lowered;
	s3 =	sadd.s32 s3, s5;
	[dreg:$0x0] =	wrdreg $0x0  }
0xae: {  	s5 =	sshll.u32 s28, $0x1;
	[dreg:$0x2] =	wrdreg s3  }
0xaf: {  	[dreg:$0x3] =	wrdreg s5  }
0xb0: {  	[dreg:$0x4] =	wrdreg $0xC0  }
0xb1: {  	_ =	task [dreg:s7], $0x5FFFF  }
0xb2: {  	[dreg:$0x1] =	wrdreg $0xFFFFFFFF  }
0xb3: {  	[dreg:$0x0] =	wrdreg $0x60  }
0xb4: {  	[dreg:$0x2] =	wrdreg s24  }
0xb5: {  	[dreg:$0x3] =	wrdreg s16  }
0xb6: {  	[dreg:$0x4] =	wrdreg $0x9  }
0xb7: {  	_ =	task.clear_ibuf [dreg:s7], $0x5FFFF;
	_ =	strace $0x90000046  }
0xb8: {  	s29 =	simm.s32 $0x9;
	_ =	strace $0x80000048  }
0xb9: {  	_ =	swait.ge [sflag:s29], $0x1  }
0xba: {  	[sflag:s29] =	ssyncadd.s32 $0xFFFFFFFF  }
0xbb: {  	_ =	strace $0x90000048  }
0xbc: {  	_ =	sfence  }
0xbd: {  	s30 =	sld [smem:$0x0];
	_ =	sdelay $0x2  }
0xbe: {  	s31 =	sshll.u32 s1, $0xD;
	s1 =	sshrl.u32 s1, $0x2  }
0xbf: {  	s3 =	sand.u32 $0x4000, s31;
	s1 =	sadd.s32 s1, s30  }
0xc0: {  	s0 =	sor.u32 s3, s0;
	s1 =	sshll.u32 s1, $0x11  }
0xc1: {  	s0 =	sor.u32 s1, s0  }
0xc2: {  	s0 =	sadd.s32 $0x8F2B, s0  }
0xc3: {  	[sflag:s0] =	ssyncadd.remote.s32 $0x1  }
0xc4: {  	_ =	sfence.sel $0xFFFF  }
0xc5: {  	[dreg:$0x0] =	wrdreg $0xFFFFFFFF;
	(pc) =	sbr.abs _section_cstart, $3  }
0xc6: {  	[dreg:$0x1] =	wrdreg $0xFFFFFFFF  }
0xc7: {  	_ =	task.clear_ibuf [dreg:s7], $0x2FFFF;
	_ =	strace $0x9FFFFFFF  }
0xc8: {  	(tm) =	ssettm $0x7FFFFFFF  }
0xc9: {  	_ =	shalt  }
tec
execute0_lowered:
.L_overlay_start_1:
0x0: {  	(tag) =	ssettag $0x1  }
0x1: {  	v0 =	vimm.s32 $0x5B5A4948  }
0x2: {  	v1 =	vimm.s32 $0x7F7E6D6C;
	vm0 =	vcmask $0x1F10;
	v2 =	vimm.s32 $0x37362524  }
0x3: {  	v3 =	vimm.s32 $0x5D554C44;
	v4 =	vimm.s32 $0x7F776E66;
	v5 =	vimm.s32 $0x19110800  }
0x4: {  	v6 =	vimm.s32 $0x3B332A22;
	v7 =	vimm.s32 $0x1A120901;
	v8 =	vimm.s32 $0x3C342B23  }
0x5: {  	v9 =	vimm.s32 $0x7B7A6968;
	v10 =	vimm.s32 $0x1F1E0D0C;
	v11 =	vimm.s32 $0x1C140B03  }
0x6: {  	v12 =	vimm.s32 $0x3E362D25;
	v13 =	vimm.s32 $0x1B1A0908;
	v14 =	vimm.s32 $0x3F3E2D2C  }
0x7: {  	v15 =	vimm.s32 $0x1E160D05;
	v16 =	vimm.s32 $0x38302F27;
	v17 =	vimm.s32 $0x3B3A2928  }
0x8: {  	v18 =	vimm.s32 $0x5F5E4D4C;
	v61 =	vimm.s32 $0x39312820;
	v62 =	vimm.s32 $0x6F6E5D5C  }
0x9: {  	v63 =	vimm.s32 $0x3027170;
	v19 =	vimm.s32 $0x27261514;
	v20 =	vimm.s32 $0x5C544B43  }
0xa: {  	v21 =	vimm.s32 $0x7E766D65;
	v22 =	vimm.s32 $0x18100F07;
	v23 =	vimm.s32 $0x3A322921  }
0xb: {  	v0 =	vunpack.c.0.s8.s32 v0;
	v1 =	vunpack.c.0.s8.s32 v1;
	v2 =	vunpack.c.0.s8.s32 v2  }
0xc: {  	v3 =	vunpack.c.0.s8.s32 v3;
	v4 =	vunpack.c.0.s8.s32 v4;
	v7 =	vunpack.c.0.s8.s32 v7  }
0xd: {  	v8 =	vunpack.c.0.s8.s32 v8;
	v0 =	vsel vm0, v1, v0;
	v1 =	vimm.s32 $0x13120100  }
0xe: {  	v11 =	vunpack.c.0.s8.s32 v11;
	v12 =	vunpack.c.0.s8.s32 v12;
	v1 =	vunpack.c.0.s8.s32 v1  }
0xf: {  	v15 =	vunpack.c.0.s8.s32 v15;
	v16 =	vunpack.c.0.s8.s32 v16;
	v19 =	vunpack.c.0.s8.s32 v19  }
0x10: {  	v1 =	vsel vm0, v2, v1;
	v2 =	vunpack.c.0.s8.s32 v5;
	v5 =	vunpack.c.0.s8.s32 v6  }
0x11: {  	v3 =	vsel vm0, v4, v3;
	v4 =	vimm.s32 $0x6B6A5958;
	v6 =	vimm.s32 $0xF0E7D7C  }
0x12: {  	v4 =	vunpack.c.0.s8.s32 v4;
	v2 =	vsel vm0, v5, v2;
	v5 =	vunpack.c.0.s8.s32 v6  }
0x13: {  	v0 =	vcombine.low v1, v0;
	v6 =	vimm.s32 $0x78706F67;
	v1 =	vcombine.low v2, v3  }
0x14: {  	v3 =	vimm.s32 $0x23221110;
	v2 =	vsel vm0, v5, v4;
	v4 =	vimm.s32 $0x47463534  }
0x15: {  	v3 =	vunpack.c.0.s8.s32 v3;
	v5 =	vimm.s32 $0x5E564D45;
	v4 =	vunpack.c.0.s8.s32 v4  }
0x16: {  	v20 =	vunpack.c.0.s8.s32 v20;
	v6 =	vunpack.c.0.s8.s32 v6;
	v5 =	vunpack.c.0.s8.s32 v5  }
0x17: {  	v3 =	vsel vm0, v4, v3;
	v4 =	vunpack.c.0.s8.s32 v9;
	v9 =	vunpack.c.0.s8.s32 v10  }
0x18: {  	v10 =	vimm.s32 $0x3D352C24;
	v2 =	vcombine.low v3, v2;
	v3 =	vsel vm0, v6, v5  }
0x19: {  	v5 =	vsel vm0, v8, v7;
	v6 =	vimm.s32 $0x57564544;
	v7 =	vimm.s32 $0x5F574E46  }
0x1a: {  	v8 =	vimm.s32 $0x79716860;
	v3 =	vcombine.low v5, v3;
	v5 =	vimm.s32 $0x33322120  }
0x1b: {  	v4 =	vsel vm0, v9, v4;
	v6 =	vunpack.c.0.s8.s32 v6;
	v5 =	vunpack.c.0.s8.s32 v5  }
0x1c: {  	v7 =	vunpack.c.0.s8.s32 v7;
	v8 =	vunpack.c.0.s8.s32 v8;
	v9 =	vimm.s32 $0x1B130A02  }
0x1d: {  	v5 =	vsel vm0, v6, v5;
	v6 =	vunpack.c.0.s8.s32 v9;
	v9 =	vunpack.c.0.s8.s32 v10  }
0x1e: {  	v7 =	vsel vm0, v8, v7;
	v8 =	vimm.s32 $0xB0A7978;
	v10 =	vimm.s32 $0x2F2E1D1C  }
0x1f: {  	v8 =	vunpack.c.0.s8.s32 v8;
	v6 =	vsel vm0, v9, v6;
	v9 =	vunpack.c.0.s8.s32 v10  }
0x20: {  	v4 =	vcombine.low v5, v4;
	v10 =	vimm.s32 $0x7A726961;
	v5 =	vcombine.low v6, v7  }
0x21: {  	v7 =	vimm.s32 $0x43423130;
	v6 =	vsel vm0, v9, v8;
	v8 =	vimm.s32 $0x67665554  }
0x22: {  	v7 =	vunpack.c.0.s8.s32 v7;
	v9 =	vimm.s32 $0x58504F47;
	v8 =	vunpack.c.0.s8.s32 v8  }
0x23: {  	v21 =	vunpack.c.0.s8.s32 v21;
	v10 =	vunpack.c.0.s8.s32 v10;
	v9 =	vunpack.c.0.s8.s32 v9  }
0x24: {  	v7 =	vsel vm0, v8, v7;
	v8 =	vunpack.c.0.s8.s32 v13;
	v13 =	vunpack.c.0.s8.s32 v14  }
0x25: {  	v14 =	vimm.s32 $0x3F372E26;
	v6 =	vcombine.low v7, v6;
	v7 =	vsel vm0, v10, v9  }
0x26: {  	v9 =	vsel vm0, v12, v11;
	v10 =	vimm.s32 $0x77766564;
	v11 =	vimm.s32 $0x59514840  }
0x27: {  	v12 =	vimm.s32 $0x7B736A62;
	v7 =	vcombine.low v9, v7;
	v9 =	vimm.s32 $0x53524140  }
0x28: {  	v8 =	vsel vm0, v13, v8;
	v10 =	vunpack.c.0.s8.s32 v10;
	v9 =	vunpack.c.0.s8.s32 v9  }
0x29: {  	v11 =	vunpack.c.0.s8.s32 v11;
	v12 =	vunpack.c.0.s8.s32 v12;
	v13 =	vimm.s32 $0x1D150C04  }
0x2a: {  	v9 =	vsel vm0, v10, v9;
	v10 =	vunpack.c.0.s8.s32 v13;
	v13 =	vunpack.c.0.s8.s32 v14  }
0x2b: {  	v11 =	vsel vm0, v12, v11;
	v12 =	vimm.s32 $0x2B2A1918;
	v14 =	vimm.s32 $0x4F4E3D3C  }
0x2c: {  	v12 =	vunpack.c.0.s8.s32 v12;
	v10 =	vsel vm0, v13, v10;
	v13 =	vunpack.c.0.s8.s32 v14  }
0x2d: {  	v8 =	vcombine.low v9, v8;
	v14 =	vimm.s32 $0x7C746B63;
	v9 =	vcombine.low v10, v11  }
0x2e: {  	v11 =	vimm.s32 $0x63625150;
	v10 =	vsel vm0, v13, v12;
	v12 =	vimm.s32 $0x7067574  }
0x2f: {  	s4 =	rddreg [dreg:$0x0];
	v11 =	vunpack.c.0.s8.s32 v11;
	v13 =	vimm.s32 $0x5A524941;
	v12 =	vunpack.c.0.s8.s32 v12  }
0x30: {  	s1 =	rddreg [dreg:$0x1];
	v22 =	vunpack.c.0.s8.s32 v22;
	v14 =	vunpack.c.0.s8.s32 v14;
	v13 =	vunpack.c.0.s8.s32 v13  }
0x31: {  	s0 =	rddreg [dreg:$0x2];
	s3 =	simm.s32 $0x0;
	v23 =	vunpack.c.0.s8.s32 v23;
	v11 =	vsel vm0, v12, v11;
	v12 =	vunpack.c.0.s8.s32 v17  }
0x32: {  	s5 =	srdreg.scid;
	s2 =	stileid.u32;
	s17 =	simm.s32 $0x4000;
	v17 =	vunpack.c.0.s8.s32 v18;
	v10 =	vcombine.low v11, v10;
	v11 =	vsel vm0, v14, v13  }
0x33: {  	s18 =	simm.s32 $0x1;
	s19 =	simm.s32 $0x8000;
	s20 =	simm.s32 $0x2;
	v13 =	vsel vm0, v16, v15;
	v14 =	vimm.s32 $0x17160504;
	v15 =	vimm.s32 $0x5B534A42  }
0x34: {  	s21 =	simm.s32 $0xC000;
	s22 =	simm.s32 $0x3;
	s23 =	simm.s32 $0x4;
	v16 =	vimm.s32 $0x7D756C64;
	v11 =	vcombine.low v13, v11;
	v13 =	vimm.s32 $0x73726160  }
0x35: {  	s24 =	simm.s32 $0x0;
	s5 =	sand.u32 $0x1, s5;
	s6 =	sshll.u32 s2, $0x1;
	v12 =	vsel vm0, v17, v12;
	v14 =	vunpack.c.0.s8.s32 v14;
	v13 =	vunpack.c.0.s8.s32 v13  }
0x36: {  	[smem:$0x7FF] =	sst s3;
	s4 =	sadd.s32 $0x1000600, s4;
	s6 =	sor.u32 s5, s6;
	v15 =	vunpack.c.0.s8.s32 v15;
	v16 =	vunpack.c.0.s8.s32 v16;
	v17 =	vimm.s32 $0x1F170E06  }
0x37: {  	_ =	strace $0x80000047;
	s7 =	ssub.s32 $0x2, s5;
	s10 =	sshll.u32 s6, $0x10;
	v13 =	vsel vm0, v14, v13;
	v14 =	vunpack.c.0.s8.s32 v17;
	v17 =	vunpack.c.0.s8.s32 v61  }
0x38: {  	s8 =	sshrl.u32 s7, $0x1;
	s5 =	sshll.u32 s6, $0xC;
	s11 =	sor.u32 $0x800, s10;
	v18 =	vunpack.c.0.s8.s32 v63;
	v15 =	vsel vm0, v16, v15;
	v16 =	vimm.s32 $0x4B4A3938  }
0x39: {  	s16 =	ssub.s32 s7, s8;
	s6 =	sadd.s32 s4, s10;
	s10 =	sadd.s32 s1, s10;
	v16 =	vunpack.c.0.s8.s32 v16;
	v14 =	vsel vm0, v17, v14;
	v17 =	vunpack.c.0.s8.s32 v62  }
0x3a: {  	s12 =	sor.u32 $0x100, s5;
	s13 =	sor.u32 $0x180, s5;
	s7 =	sadd.s32 s4, s11;
	v12 =	vcombine.low v13, v12;
	v13 =	vcombine.low v14, v15;
	v15 =	vsel vm0, v19, v18  }
0x3b: {  	s8 =	sadd.s32 $0x1000, s6;
	s9 =	sadd.s32 $0x1800, s6;
	s11 =	sadd.s32 s1, s11;
	v14 =	vsel vm0, v17, v16;
	v16 =	vsel vm0, v21, v20;
	v17 =	vsel vm0, v23, v22  }
0x3c: {  	s14 =	sadd.s32 $0xF000, s10;
	s15 =	sadd.s32 $0xF800, s10;
	s16 =	smax.u32 s16, $0x1;
	v14 =	vcombine.low v15, v14;
	v15 =	vcombine.low v17, v16  }
.LBB2_1:
0x3d: {  	v16 =	vimm.s32 $0x0  }
0x3e: {  	[tilespmem:s3], [sflag:$0x1] =	stream.linear.gather [hbm4b:s6+s3], $0x4000, $0x38;
	v19 =	vshll.u32 v16, $0x7;
	[tilespmem:$0x10000] =	vst v63  }
0x3f: {  	v17 =	vor.u32 v0, v19  }
0x40: {  	[tilespmem:s17], [sflag:$0x2] =	stream.linear.gather [hbm4b:s7+s3], $0x4000, $0x38;
	[tilespmem:$0x10000] =	vst v63  }
0x41: {  	_ =	swait.ge [sflag:s18], $0x4000  }
0x42: {  	[sflag:s18] =	ssyncset.done $0x0  }
0x43: {  	[sflag:s18] =	ssyncadd.s32 $0xFFFFC000  }
0x44: {  	v18 =	vor.u32 v1, v19;
	v17 =	vld.idx.msk [tilespmem:v17+s3+$0x0], $0xffff  }
0x45: {  	v21 =	vadd.s32 $0x1, v16;
	v20 =	vor.u32 v2, v19  }
0x46: {  	v16 =	vshll.u32 v21, $0x7  }
0x47: {  	v22 =	vor.u32 v0, v16;
	_ =	sdelay $0x1  }
0x48: {  	[tilespmem:v18+s19+$0x0] =	vst.idx.msk $0xffff, v17  }
0x49: {  	v18 =	vld.idx.msk [tilespmem:v20+s3+$0x0], $0xffff;
	v20 =	vor.u32 v3, v19  }
0x4a: {  	v23 =	vor.u32 v4, v19  }
0x4b: {  	v24 =	vor.u32 v1, v16;
	v22 =	vld.idx.msk [tilespmem:v22+s3+$0x0], $0xffff  }
0x4c: {  	v21 =	vadd.s32 $0x1, v21;
	v25 =	vor.u32 v2, v16  }
0x4d: {  	v17 =	vshll.u32 v21, $0x7  }
0x4e: {  	v26 =	vor.u32 v0, v17;
	[tilespmem:v20+s19+$0x0] =	vst.idx.msk $0xffff, v18  }
0x4f: {  	v20 =	vor.u32 v5, v19;
	v18 =	vld.idx.msk [tilespmem:v23+s3+$0x0], $0xffff  }
0x50: {  	[tilespmem:v24+s19+$0x0] =	vst.idx.msk $0xffff, v22;
	v22 =	vor.u32 v6, v19  }
0x51: {  	v24 =	vor.u32 v3, v16;
	v23 =	vld.idx.msk [tilespmem:v25+s3+$0x0], $0xffff  }
0x52: {  	v25 =	vor.u32 v4, v16  }
0x53: {  	v21 =	vadd.s32 $0x1, v21;
	v27 =	vor.u32 v1, v17;
	v26 =	vld.idx.msk [tilespmem:v26+s3+$0x0], $0xffff  }
0x54: {  	v28 =	vor.u32 v2, v17;
	[tilespmem:v20+s19+$0x0] =	vst.idx.msk $0xffff, v18;
	v18 =	vshll.u32 v21, $0x7  }
0x55: {  	v29 =	vor.u32 v7, v19;
	v20 =	vld.idx.msk [tilespmem:v22+s3+$0x0], $0xffff;
	v22 =	vor.u32 v0, v18  }
0x56: {  	[tilespmem:v24+s19+$0x0] =	vst.idx.msk $0xffff, v23;
	v23 =	vor.u32 v8, v19  }
0x57: {  	v24 =	vld.idx.msk [tilespmem:v25+s3+$0x0], $0xffff;
	v25 =	vor.u32 v5, v16  }
0x58: {  	[tilespmem:v27+s19+$0x0] =	vst.idx.msk $0xffff, v26;
	v26 =	vor.u32 v6, v16  }
0x59: {  	v27 =	vld.idx.msk [tilespmem:v28+s3+$0x0], $0xffff;
	v28 =	vor.u32 v3, v17  }
0x5a: {  	v30 =	vor.u32 v4, v17;
	v22 =	vld.idx.msk [tilespmem:v22+s3+$0x0], $0xffff;
	[tilespmem:v29+s19+$0x0] =	vst.idx.msk $0xffff, v20;
	v29 =	vor.u32 v1, v18  }
0x5b: {  	v32 =	vor.u32 v9, v19;
	v21 =	vadd.s32 $0x1, v21;
	v31 =	vor.u32 v2, v18;
	v23 =	vld.idx.msk [tilespmem:v23+s3+$0x0], $0xffff  }
0x5c: {  	[tilespmem:v25+s19+$0x0] =	vst.idx.msk $0xffff, v24;
	v20 =	vshll.u32 v21, $0x7;
	v24 =	vor.u32 v10, v19  }
0x5d: {  	v33 =	vor.u32 v7, v16;
	v25 =	vld.idx.msk [tilespmem:v26+s3+$0x0], $0xffff;
	v26 =	vor.u32 v0, v20  }
0x5e: {  	[tilespmem:v28+s19+$0x0] =	vst.idx.msk $0xffff, v27;
	v27 =	vor.u32 v8, v16  }
0x5f: {  	v28 =	vld.idx.msk [tilespmem:v30+s3+$0x0], $0xffff;
	[tilespmem:v29+s19+$0x0] =	vst.idx.msk $0xffff, v22;
	v22 =	vor.u32 v5, v17  }
0x60: {  	v30 =	vor.u32 v6, v17;
	v29 =	vld.idx.msk [tilespmem:v31+s3+$0x0], $0xffff;
	[tilespmem:v32+s19+$0x0] =	vst.idx.msk $0xffff, v23;
	v23 =	vor.u32 v3, v18  }
0x61: {  	v62 =	vor.u32 v11, v19;
	v31 =	vor.u32 v4, v18;
	v24 =	vld.idx.msk [tilespmem:v24+s3+$0x0], $0xffff  }
0x62: {  	v63 =	vor.u32 v12, v19;
	v26 =	vld.idx.msk [tilespmem:v26+s3+$0x0], $0xffff;
	[tilespmem:v33+s19+$0x0] =	vst.idx.msk $0xffff, v25;
	v25 =	vor.u32 v1, v20  }
0x63: {  	v35 =	vor.u32 v9, v16;
	v38 =	vadd.s32 $0x1, v21;
	v34 =	vor.u32 v2, v20;
	v27 =	vld.idx.msk [tilespmem:v27+s3+$0x0], $0xffff  }
0x64: {  	v21 =	vshll.u32 v38, $0x7;
	[tilespmem:v22+s19+$0x0] =	vst.idx.msk $0xffff, v28;
	v22 =	vor.u32 v10, v16  }
0x65: {  	v28 =	vld.idx.msk [tilespmem:v30+s3+$0x0], $0xffff;
	v30 =	vor.u32 v0, v21;
	[tilespmem:v23+s19+$0x0] =	vst.idx.msk $0xffff, v29;
	v23 =	vor.u32 v7, v17  }
0x66: {  	v37 =	vor.u32 v8, v17;
	v39 =	vor.u32 v5, v18;
	v29 =	vld.idx.msk [tilespmem:v31+s3+$0x0], $0xffff;
	[tilespmem:v62+s19+$0x0] =	vst.idx.msk $0xffff, v24  }
0x67: {  	v42 =	vor.u32 v13, v19;
	v41 =	vor.u32 v6, v18;
	[tilespmem:v25+s19+$0x0] =	vst.idx.msk $0xffff, v26;
	v40 =	vld.idx.msk [tilespmem:v63+s3+$0x0], $0xffff  }
0x68: {  	v36 =	vor.u32 v1, v21;
	v32 =	vor.u32 v3, v20;
	v31 =	vld.idx.msk [tilespmem:v34+s3+$0x0], $0xffff;
	[tilespmem:v35+s19+$0x0] =	vst.idx.msk $0xffff, v27  }
0x69: {  	v33 =	vadd.s32 $0x1, v38;
	v26 =	vor.u32 v14, v19;
	v34 =	vor.u32 v4, v20;
	v24 =	vld.idx.msk [tilespmem:v22+s3+$0x0], $0xffff  }
0x6a: {  	v27 =	vor.u32 v11, v16;
	v22 =	vshll.u32 v33, $0x7;
	v35 =	vld.idx.msk [tilespmem:v30+s3+$0x0], $0xffff;
	[tilespmem:v23+s19+$0x0] =	vst.idx.msk $0xffff, v28  }
0x6b: {  	v23 =	vor.u32 v12, v16;
	v28 =	vor.u32 v9, v17;
	v25 =	vld.idx.msk [tilespmem:v37+s3+$0x0], $0xffff;
	[tilespmem:v39+s19+$0x0] =	vst.idx.msk $0xffff, v29  }
0x6c: {  	s25 =	simm.s32 $0x79;
	v37 =	vor.u32 v2, v21;
	v29 =	vor.u32 v10, v17;
	v30 =	vld.idx.msk [tilespmem:v41+s3+$0x0], $0xffff;
	[tilespmem:v42+s19+$0x0] =	vst.idx.msk $0xffff, v40  }
.LBB2_2:
0x6d: {  	v38 =	vor.u32 v0, v22  }
0x6e: {  	p0 =	sne.s32 s25, $0x1;
	[tilespmem:v32+s19+$0x0] =	vst.idx.msk $0xffff, v31;
	v39 =	vor.u32 v7, v18;
	v40 =	vld.idx.msk [tilespmem:v26+s3+$0x0], $0xffff;
	v41 =	vmov v21;
	v21 =	vmov v22  }
0x6f: {  	v42 =	vor.u32 v8, v18;
	v43 =	vor.u32 v15, v19;
	v22 =	vld.idx.msk [tilespmem:v34+s3+$0x0], $0xffff;
	[tilespmem:v27+s19+$0x0] =	vst.idx.msk $0xffff, v24  }
0x70: {  	v44 =	vor.u32 v5, v20;
	v19 =	vmov v16;
	v16 =	vmov v17;
	[tilespmem:v36+s19+$0x0] =	vst.idx.msk $0xffff, v35;
	v45 =	vld.idx.msk [tilespmem:v23+s3+$0x0], $0xffff  }
0x71: {  	v46 =	vor.u32 v6, v20;
	v47 =	vor.u32 v13, v19;
	v31 =	vld.idx.msk [tilespmem:v37+s3+$0x0], $0xffff;
	[tilespmem:v28+s19+$0x0] =	vst.idx.msk $0xffff, v25  }
.Ltmp0:
0x72: {  	v17 =	vmovc v18;
	v18 =	vmov v20;
	v32 =	vor.u32 v3, v41;
	v26 =	vor.u32 v14, v19;
	v24 =	vld.idx.msk [tilespmem:v29+s3+$0x0], $0xffff;
	(pc) =	sbr.rel @p0 .LBB2_2-.Ltmp0, $4  }
0x73: {  	v34 =	vor.u32 v4, v41;
	v27 =	vor.u32 v11, v16;
	v35 =	vld.idx.msk [tilespmem:v38+s3+$0x0], $0xffff;
	[tilespmem:v39+s19+$0x0] =	vst.idx.msk $0xffff, v30  }
0x74: {  	v36 =	vor.u32 v1, v21;
	v23 =	vor.u32 v12, v16;
	v25 =	vld.idx.msk [tilespmem:v42+s3+$0x0], $0xffff;
	[tilespmem:v43+s19+$0x0] =	vst.idx.msk $0xffff, v40  }
0x75: {  	v33 =	vadd.s32 $0x1, v33;
	v37 =	vor.u32 v2, v21;
	v28 =	vor.u32 v9, v17;
	[tilespmem:v44+s19+$0x0] =	vst.idx.msk $0xffff, v22  }
0x76: {  	s25 =	sadd.s32 $0xFFFFFFFF, s25;
	v20 =	vmov v41;
	v29 =	vor.u32 v10, v17;
	v22 =	vshll.u32 v33, $0x7;
	v30 =	vld.idx.msk [tilespmem:v46+s3+$0x0], $0xffff;
	[tilespmem:v47+s19+$0x0] =	vst.idx.msk $0xffff, v45  }
0x77: {  	v33 =	vor.u32 v0, v22;
	_ =	sdelay $0x4  }
0x78: {  	v38 =	vor.u32 v1, v22;
	v33 =	vld.idx.msk [tilespmem:v33+s3+$0x0], $0xffff  }
0x79: {  	v39 =	vor.u32 v2, v22;
	_ =	sdelay $0x1  }
0x7a: {  	[tilespmem:v32+s19+$0x0] =	vst.idx.msk $0xffff, v31  }
0x7b: {  	v50 =	vor.u32 v5, v20;
	[tilespmem:v36+s19+$0x0] =	vst.idx.msk $0xffff, v35;
	v31 =	vld.idx.msk [tilespmem:v34+s3+$0x0], $0xffff  }
0x7c: {  	v45 =	vor.u32 v3, v21;
	v35 =	vld.idx.msk [tilespmem:v37+s3+$0x0], $0xffff;
	[tilespmem:v38+s19+$0x0] =	vst.idx.msk $0xffff, v33  }
0x7d: {  	v46 =	vor.u32 v4, v21;
	v48 =	vor.u32 v3, v22;
	v47 =	vld.idx.msk [tilespmem:v39+s3+$0x0], $0xffff  }
0x7e: {  	v49 =	vor.u32 v4, v22;
	_ =	sdelay $0x1  }
0x7f: {  	[tilespmem:v50+s19+$0x0] =	vst.idx.msk $0xffff, v31  }
0x80: {  	v51 =	vor.u32 v6, v20;
	v40 =	vor.u32 v7, v18;
	[tilespmem:v45+s19+$0x0] =	vst.idx.msk $0xffff, v35  }
0x81: {  	v52 =	vor.u32 v5, v21;
	v31 =	vor.u32 v8, v18;
	v33 =	vld.idx.msk [tilespmem:v46+s3+$0x0], $0xffff;
	[tilespmem:v48+s19+$0x0] =	vst.idx.msk $0xffff, v47  }
0x82: {  	v53 =	vor.u32 v6, v21;
	v54 =	vor.u32 v5, v22;
	v37 =	vld.idx.msk [tilespmem:v49+s3+$0x0], $0xffff  }
0x83: {  	v55 =	vor.u32 v6, v22;
	_ =	sdelay $0x1  }
0x84: {  	v56 =	vor.u32 v7, v20;
	[tilespmem:v40+s19+$0x0] =	vst.idx.msk $0xffff, v30;
	v32 =	vld.idx.msk [tilespmem:v51+s3+$0x0], $0xffff  }
0x85: {  	v57 =	vor.u32 v8, v20;
	v30 =	vld.idx.msk [tilespmem:v31+s3+$0x0], $0xffff;
	v31 =	vor.u32 v9, v18;
	[tilespmem:v52+s19+$0x0] =	vst.idx.msk $0xffff, v33  }
0x86: {  	v58 =	vor.u32 v7, v21;
	v35 =	vld.idx.msk [tilespmem:v53+s3+$0x0], $0xffff;
	[tilespmem:v54+s19+$0x0] =	vst.idx.msk $0xffff, v37  }
0x87: {  	v59 =	vor.u32 v8, v21;
	v60 =	vor.u32 v7, v22;
	v38 =	vld.idx.msk [tilespmem:v55+s3+$0x0], $0xffff  }
0x88: {  	v41 =	vor.u32 v8, v22;
	[tilespmem:v28+s19+$0x0] =	vst.idx.msk $0xffff, v25  }
0x89: {  	[tilespmem:v56+s19+$0x0] =	vst.idx.msk $0xffff, v32  }
0x8a: {  	v61 =	vor.u32 v10, v18;
	v62 =	vor.u32 v9, v20;
	v33 =	vld.idx.msk [tilespmem:v57+s3+$0x0], $0xffff;
	[tilespmem:v31+s19+$0x0] =	vst.idx.msk $0xffff, v30  }
0x8b: {  	v63 =	vor.u32 v10, v20;
	v28 =	vld.idx.msk [tilespmem:v29+s3+$0x0], $0xffff;
	v29 =	vor.u32 v11, v17;
	[tilespmem:v58+s19+$0x0] =	vst.idx.msk $0xffff, v35  }
0x8c: {  	v40 =	vor.u32 v9, v21;
	v30 =	vor.u32 v12, v17;
	v36 =	vld.idx.msk [tilespmem:v59+s3+$0x0], $0xffff;
	[tilespmem:v60+s19+$0x0] =	vst.idx.msk $0xffff, v38  }
0x8d: {  	[tilespmem:v27+s19+$0x0] =	vst.idx.msk $0xffff, v24;
	v24 =	vor.u32 v10, v21;
	v42 =	vor.u32 v9, v22;
	v27 =	vld.idx.msk [tilespmem:v41+s3+$0x0], $0xffff  }
0x8e: {  	v26 =	vld.idx.msk [tilespmem:v26+s3+$0x0], $0xffff;
	v19 =	vor.u32 v15, v19;
	v25 =	vor.u32 v10, v22  }
0x8f: {  	v43 =	vor.u32 v11, v18;
	v31 =	vld.idx.msk [tilespmem:v61+s3+$0x0], $0xffff;
	[tilespmem:v62+s19+$0x0] =	vst.idx.msk $0xffff, v33  }
0x90: {  	v44 =	vor.u32 v12, v18;
	v45 =	vor.u32 v11, v20;
	[tilespmem:v29+s19+$0x0] =	vst.idx.msk $0xffff, v28;
	v34 =	vld.idx.msk [tilespmem:v63+s3+$0x0], $0xffff  }
0x91: {  	v46 =	vor.u32 v12, v20;
	v48 =	vor.u32 v13, v17;
	v30 =	vld.idx.msk [tilespmem:v30+s3+$0x0], $0xffff;
	[tilespmem:v40+s19+$0x0] =	vst.idx.msk $0xffff, v36  }
0x92: {  	v47 =	vor.u32 v11, v21;
	v24 =	vld.idx.msk [tilespmem:v24+s3+$0x0], $0xffff;
	[tilespmem:v42+s19+$0x0] =	vst.idx.msk $0xffff, v27  }
0x93: {  	[tilespmem:v19+s19+$0x0] =	vst.idx.msk $0xffff, v26;
	v19 =	vor.u32 v12, v21;
	v26 =	vor.u32 v11, v22;
	v25 =	vld.idx.msk [tilespmem:v25+s3+$0x0], $0xffff  }
0x94: {  	v23 =	vld.idx.msk [tilespmem:v23+s3+$0x0], $0xffff;
	v28 =	vor.u32 v12, v22;
	[tilespmem:v43+s19+$0x0] =	vst.idx.msk $0xffff, v31;
	v27 =	vor.u32 v13, v16  }
0x95: {  	v29 =	vor.u32 v14, v16;
	v49 =	vor.u32 v13, v18;
	v32 =	vld.idx.msk [tilespmem:v44+s3+$0x0], $0xffff;
	[tilespmem:v45+s19+$0x0] =	vst.idx.msk $0xffff, v34  }
0x96: {  	v50 =	vor.u32 v14, v18;
	v51 =	vor.u32 v13, v20;
	[tilespmem:v48+s19+$0x0] =	vst.idx.msk $0xffff, v30;
	v35 =	vld.idx.msk [tilespmem:v46+s3+$0x0], $0xffff  }
0x97: {  	[tilespmem:v47+s19+$0x0] =	vst.idx.msk $0xffff, v24;
	v24 =	vor.u32 v14, v20  }
0x98: {  	v52 =	vor.u32 v13, v21;
	v31 =	vor.u32 v14, v17;
	v19 =	vld.idx.msk [tilespmem:v19+s3+$0x0], $0xffff;
	[tilespmem:v26+s19+$0x0] =	vst.idx.msk $0xffff, v25  }
0x99: {  	[tilespmem:v27+s19+$0x0] =	vst.idx.msk $0xffff, v23;
	v23 =	vor.u32 v14, v21;
	v26 =	vor.u32 v13, v22;
	v25 =	vld.idx.msk [tilespmem:v28+s3+$0x0], $0xffff  }
0x9a: {  	[tilespmem:v49+s19+$0x0] =	vst.idx.msk $0xffff, v32;
	v16 =	vor.u32 v15, v16;
	v27 =	vld.idx.msk [tilespmem:v29+s3+$0x0], $0xffff;
	v28 =	vor.u32 v14, v22  }
0x9b: {  	v18 =	vor.u32 v15, v18;
	v30 =	vld.idx.msk [tilespmem:v50+s3+$0x0], $0xffff;
	[tilespmem:v51+s19+$0x0] =	vst.idx.msk $0xffff, v35  }
0x9c: {  	v20 =	vor.u32 v15, v20;
	v24 =	vld.idx.msk [tilespmem:v24+s3+$0x0], $0xffff  }
0x9d: {  	v17 =	vor.u32 v15, v17;
	[tilespmem:v52+s19+$0x0] =	vst.idx.msk $0xffff, v19;
	v29 =	vld.idx.msk [tilespmem:v31+s3+$0x0], $0xffff  }
0x9e: {  	v21 =	vor.u32 v15, v21;
	v19 =	vld.idx.msk [tilespmem:v23+s3+$0x0], $0xffff;
	[tilespmem:v26+s19+$0x0] =	vst.idx.msk $0xffff, v25  }
0x9f: {  	v22 =	vor.u32 v15, v22;
	[tilespmem:v16+s19+$0x0] =	vst.idx.msk $0xffff, v27;
	v16 =	vld.idx.msk [tilespmem:v28+s3+$0x0], $0xffff  }
0xa0: {  	[tilespmem:v18+s19+$0x0] =	vst.idx.msk $0xffff, v30  }
0xa1: {  	[tilespmem:v20+s19+$0x0] =	vst.idx.msk $0xffff, v24  }
0xa2: {  	[tilespmem:v17+s19+$0x0] =	vst.idx.msk $0xffff, v29  }
0xa3: {  	[tilespmem:v21+s19+$0x0] =	vst.idx.msk $0xffff, v19  }
0xa4: {  	[tilespmem:v22+s19+$0x0] =	vst.idx.msk $0xffff, v16;
	v16 =	vimm.s32 $0x0  }
0xa5: {  	[hbm4b:s10+s3] =	stream.linear.scatter [tilespmem:s19], [sflag:$0x3], $0x4000, $0x38;
	v19 =	vshll.u32 v16, $0x7;
	[tilespmem:$0x10000] =	vst v63  }
0xa6: {  	v17 =	vor.u32 v0, v19  }
0xa7: {  	[tilespmem:s3], [sflag:$0x1] =	stream.linear.gather [hbm4b:s8+s3], $0x4000, $0x38;
	[tilespmem:$0x10000] =	vst v63  }
0xa8: {  	_ =	swait.ge [sflag:s20], $0x4000  }
0xa9: {  	[sflag:s20] =	ssyncset.done $0x0  }
0xaa: {  	[sflag:s20] =	ssyncadd.s32 $0xFFFFC000  }
0xab: {  	v18 =	vor.u32 v1, v19;
	v17 =	vld.idx.msk [tilespmem:v17+s17+$0x0], $0xffff  }
0xac: {  	v21 =	vadd.s32 $0x1, v16;
	v20 =	vor.u32 v2, v19  }
0xad: {  	v16 =	vshll.u32 v21, $0x7  }
0xae: {  	v22 =	vor.u32 v0, v16;
	_ =	sdelay $0x1  }
0xaf: {  	[tilespmem:v18+s21+$0x0] =	vst.idx.msk $0xffff, v17  }
0xb0: {  	v18 =	vld.idx.msk [tilespmem:v20+s17+$0x0], $0xffff;
	v20 =	vor.u32 v3, v19  }
0xb1: {  	v23 =	vor.u32 v4, v19  }
0xb2: {  	v24 =	vor.u32 v1, v16;
	v22 =	vld.idx.msk [tilespmem:v22+s17+$0x0], $0xffff  }
0xb3: {  	v21 =	vadd.s32 $0x1, v21;
	v25 =	vor.u32 v2, v16  }
0xb4: {  	v17 =	vshll.u32 v21, $0x7  }
0xb5: {  	v26 =	vor.u32 v0, v17;
	[tilespmem:v20+s21+$0x0] =	vst.idx.msk $0xffff, v18  }
0xb6: {  	v20 =	vor.u32 v5, v19;
	v18 =	vld.idx.msk [tilespmem:v23+s17+$0x0], $0xffff  }
0xb7: {  	[tilespmem:v24+s21+$0x0] =	vst.idx.msk $0xffff, v22;
	v22 =	vor.u32 v6, v19  }
0xb8: {  	v24 =	vor.u32 v3, v16;
	v23 =	vld.idx.msk [tilespmem:v25+s17+$0x0], $0xffff  }
0xb9: {  	v25 =	vor.u32 v4, v16  }
0xba: {  	v21 =	vadd.s32 $0x1, v21;
	v27 =	vor.u32 v1, v17;
	v26 =	vld.idx.msk [tilespmem:v26+s17+$0x0], $0xffff  }
0xbb: {  	v28 =	vor.u32 v2, v17;
	[tilespmem:v20+s21+$0x0] =	vst.idx.msk $0xffff, v18;
	v18 =	vshll.u32 v21, $0x7  }
0xbc: {  	v29 =	vor.u32 v7, v19;
	v20 =	vld.idx.msk [tilespmem:v22+s17+$0x0], $0xffff;
	v22 =	vor.u32 v0, v18  }
0xbd: {  	[tilespmem:v24+s21+$0x0] =	vst.idx.msk $0xffff, v23;
	v23 =	vor.u32 v8, v19  }
0xbe: {  	v24 =	vld.idx.msk [tilespmem:v25+s17+$0x0], $0xffff;
	v25 =	vor.u32 v5, v16  }
0xbf: {  	[tilespmem:v27+s21+$0x0] =	vst.idx.msk $0xffff, v26;
	v26 =	vor.u32 v6, v16  }
0xc0: {  	v27 =	vld.idx.msk [tilespmem:v28+s17+$0x0], $0xffff;
	v28 =	vor.u32 v3, v17  }
0xc1: {  	v30 =	vor.u32 v4, v17;
	v22 =	vld.idx.msk [tilespmem:v22+s17+$0x0], $0xffff;
	[tilespmem:v29+s21+$0x0] =	vst.idx.msk $0xffff, v20;
	v29 =	vor.u32 v1, v18  }
0xc2: {  	v53 =	vor.u32 v9, v19;
	v21 =	vadd.s32 $0x1, v21;
	v31 =	vor.u32 v2, v18;
	v23 =	vld.idx.msk [tilespmem:v23+s17+$0x0], $0xffff  }
0xc3: {  	[tilespmem:v25+s21+$0x0] =	vst.idx.msk $0xffff, v24;
	v20 =	vshll.u32 v21, $0x7;
	v24 =	vor.u32 v10, v19  }
0xc4: {  	v54 =	vor.u32 v7, v16;
	v25 =	vld.idx.msk [tilespmem:v26+s17+$0x0], $0xffff;
	v26 =	vor.u32 v0, v20  }
0xc5: {  	[tilespmem:v28+s21+$0x0] =	vst.idx.msk $0xffff, v27;
	v27 =	vor.u32 v8, v16  }
0xc6: {  	v28 =	vld.idx.msk [tilespmem:v30+s17+$0x0], $0xffff;
	[tilespmem:v29+s21+$0x0] =	vst.idx.msk $0xffff, v22;
	v22 =	vor.u32 v5, v17  }
0xc7: {  	v30 =	vor.u32 v6, v17;
	v29 =	vld.idx.msk [tilespmem:v31+s17+$0x0], $0xffff;
	[tilespmem:v53+s21+$0x0] =	vst.idx.msk $0xffff, v23;
	v23 =	vor.u32 v3, v18  }
0xc8: {  	v55 =	vor.u32 v11, v19;
	v31 =	vor.u32 v4, v18;
	v24 =	vld.idx.msk [tilespmem:v24+s17+$0x0], $0xffff  }
0xc9: {  	v56 =	vor.u32 v12, v19;
	v26 =	vld.idx.msk [tilespmem:v26+s17+$0x0], $0xffff;
	[tilespmem:v54+s21+$0x0] =	vst.idx.msk $0xffff, v25;
	v25 =	vor.u32 v1, v20  }
0xca: {  	v59 =	vor.u32 v9, v16;
	v58 =	vadd.s32 $0x1, v21;
	v57 =	vor.u32 v2, v20;
	v27 =	vld.idx.msk [tilespmem:v27+s17+$0x0], $0xffff  }
0xcb: {  	v21 =	vshll.u32 v58, $0x7;
	[tilespmem:v22+s21+$0x0] =	vst.idx.msk $0xffff, v28;
	v22 =	vor.u32 v10, v16  }
0xcc: {  	v28 =	vld.idx.msk [tilespmem:v30+s17+$0x0], $0xffff;
	v30 =	vor.u32 v0, v21;
	[tilespmem:v23+s21+$0x0] =	vst.idx.msk $0xffff, v29;
	v23 =	vor.u32 v7, v17  }
0xcd: {  	v60 =	vor.u32 v8, v17;
	v61 =	vor.u32 v5, v18;
	v29 =	vld.idx.msk [tilespmem:v31+s17+$0x0], $0xffff;
	[tilespmem:v55+s21+$0x0] =	vst.idx.msk $0xffff, v24  }
0xce: {  	v42 =	vor.u32 v13, v19;
	v63 =	vor.u32 v6, v18;
	[tilespmem:v25+s21+$0x0] =	vst.idx.msk $0xffff, v26;
	v62 =	vld.idx.msk [tilespmem:v56+s17+$0x0], $0xffff  }
0xcf: {  	v33 =	vadd.s32 $0x1, v58;
	v32 =	vor.u32 v3, v20;
	v31 =	vld.idx.msk [tilespmem:v57+s17+$0x0], $0xffff;
	[tilespmem:v59+s21+$0x0] =	vst.idx.msk $0xffff, v27  }
0xd0: {  	v34 =	vor.u32 v4, v20;
	v36 =	vor.u32 v1, v21;
	v26 =	vor.u32 v14, v19;
	v24 =	vld.idx.msk [tilespmem:v22+s17+$0x0], $0xffff  }
0xd1: {  	v37 =	vor.u32 v2, v21;
	v27 =	vor.u32 v11, v16;
	v35 =	vld.idx.msk [tilespmem:v30+s17+$0x0], $0xffff;
	[tilespmem:v23+s21+$0x0] =	vst.idx.msk $0xffff, v28  }
0xd2: {  	v22 =	vshll.u32 v33, $0x7;
	v23 =	vor.u32 v12, v16;
	v25 =	vld.idx.msk [tilespmem:v60+s17+$0x0], $0xffff;
	[tilespmem:v61+s21+$0x0] =	vst.idx.msk $0xffff, v29  }
0xd3: {  	s25 =	simm.s32 $0x79;
	v28 =	vor.u32 v9, v17;
	v29 =	vor.u32 v10, v17;
	v30 =	vld.idx.msk [tilespmem:v63+s17+$0x0], $0xffff;
	[tilespmem:v42+s21+$0x0] =	vst.idx.msk $0xffff, v62  }
.LBB2_4:
0xd4: {  	v38 =	vor.u32 v0, v22  }
0xd5: {  	p0 =	sne.s32 s25, $0x1;
	[tilespmem:v32+s21+$0x0] =	vst.idx.msk $0xffff, v31;
	v39 =	vor.u32 v7, v18;
	v40 =	vld.idx.msk [tilespmem:v26+s17+$0x0], $0xffff;
	v41 =	vmov v21;
	v21 =	vmov v22  }
0xd6: {  	v42 =	vor.u32 v8, v18;
	v43 =	vor.u32 v15, v19;
	v22 =	vld.idx.msk [tilespmem:v34+s17+$0x0], $0xffff;
	[tilespmem:v27+s21+$0x0] =	vst.idx.msk $0xffff, v24  }
0xd7: {  	v44 =	vor.u32 v5, v20;
	v19 =	vmov v16;
	v16 =	vmov v17;
	[tilespmem:v36+s21+$0x0] =	vst.idx.msk $0xffff, v35;
	v45 =	vld.idx.msk [tilespmem:v23+s17+$0x0], $0xffff  }
0xd8: {  	v46 =	vor.u32 v6, v20;
	v47 =	vor.u32 v13, v19;
	v31 =	vld.idx.msk [tilespmem:v37+s17+$0x0], $0xffff;
	[tilespmem:v28+s21+$0x0] =	vst.idx.msk $0xffff, v25  }
.Ltmp1:
0xd9: {  	v17 =	vmovc v18;
	v18 =	vmov v20;
	v32 =	vor.u32 v3, v41;
	v26 =	vor.u32 v14, v19;
	v24 =	vld.idx.msk [tilespmem:v29+s17+$0x0], $0xffff;
	(pc) =	sbr.rel @p0 .LBB2_4-.Ltmp1, $4  }
0xda: {  	v34 =	vor.u32 v4, v41;
	v27 =	vor.u32 v11, v16;
	v35 =	vld.idx.msk [tilespmem:v38+s17+$0x0], $0xffff;
	[tilespmem:v39+s21+$0x0] =	vst.idx.msk $0xffff, v30  }
0xdb: {  	v36 =	vor.u32 v1, v21;
	v23 =	vor.u32 v12, v16;
	v25 =	vld.idx.msk [tilespmem:v42+s17+$0x0], $0xffff;
	[tilespmem:v43+s21+$0x0] =	vst.idx.msk $0xffff, v40  }
0xdc: {  	v33 =	vadd.s32 $0x1, v33;
	v37 =	vor.u32 v2, v21;
	v28 =	vor.u32 v9, v17;
	[tilespmem:v44+s21+$0x0] =	vst.idx.msk $0xffff, v22  }
0xdd: {  	s25 =	sadd.s32 $0xFFFFFFFF, s25;
	v20 =	vmov v41;
	v29 =	vor.u32 v10, v17;
	v22 =	vshll.u32 v33, $0x7;
	v30 =	vld.idx.msk [tilespmem:v46+s17+$0x0], $0xffff;
	[tilespmem:v47+s21+$0x0] =	vst.idx.msk $0xffff, v45  }
0xde: {  	v33 =	vor.u32 v0, v22;
	_ =	sdelay $0x4  }
0xdf: {  	v38 =	vor.u32 v1, v22;
	v33 =	vld.idx.msk [tilespmem:v33+s17+$0x0], $0xffff  }
0xe0: {  	v39 =	vor.u32 v2, v22;
	_ =	sdelay $0x2  }
0xe1: {  	[tilespmem:v36+s21+$0x0] =	vst.idx.msk $0xffff, v35  }
0xe2: {  	v54 =	vor.u32 v3, v21;
	v35 =	vld.idx.msk [tilespmem:v37+s17+$0x0], $0xffff;
	[tilespmem:v38+s21+$0x0] =	vst.idx.msk $0xffff, v33  }
0xe3: {  	v55 =	vor.u32 v4, v21;
	v57 =	vor.u32 v3, v22;
	v56 =	vld.idx.msk [tilespmem:v39+s17+$0x0], $0xffff  }
0xe4: {  	v58 =	vor.u32 v4, v22;
	_ =	sdelay $0x1  }
0xe5: {  	[tilespmem:v32+s21+$0x0] =	vst.idx.msk $0xffff, v31  }
0xe6: {  	v59 =	vor.u32 v5, v20;
	v31 =	vld.idx.msk [tilespmem:v34+s17+$0x0], $0xffff;
	[tilespmem:v54+s21+$0x0] =	vst.idx.msk $0xffff, v35  }
0xe7: {  	v60 =	vor.u32 v6, v20;
	v61 =	vor.u32 v5, v21;
	v33 =	vld.idx.msk [tilespmem:v55+s17+$0x0], $0xffff;
	[tilespmem:v57+s21+$0x0] =	vst.idx.msk $0xffff, v56  }
0xe8: {  	v62 =	vor.u32 v6, v21;
	v63 =	vor.u32 v5, v22;
	v37 =	vld.idx.msk [tilespmem:v58+s17+$0x0], $0xffff  }
0xe9: {  	v44 =	vor.u32 v6, v22;
	_ =	sdelay $0x1  }
0xea: {  	v40 =	vor.u32 v7, v18;
	[tilespmem:v59+s21+$0x0] =	vst.idx.msk $0xffff, v31  }
0xeb: {  	v45 =	vor.u32 v8, v18;
	v46 =	vor.u32 v7, v20;
	v32 =	vld.idx.msk [tilespmem:v60+s17+$0x0], $0xffff;
	[tilespmem:v61+s21+$0x0] =	vst.idx.msk $0xffff, v33  }
0xec: {  	v47 =	vor.u32 v8, v20;
	v48 =	vor.u32 v7, v21;
	v35 =	vld.idx.msk [tilespmem:v62+s17+$0x0], $0xffff;
	[tilespmem:v63+s21+$0x0] =	vst.idx.msk $0xffff, v37  }
0xed: {  	v49 =	vor.u32 v8, v21;
	v50 =	vor.u32 v7, v22;
	v38 =	vld.idx.msk [tilespmem:v44+s17+$0x0], $0xffff  }
0xee: {  	v41 =	vor.u32 v8, v22  }
0xef: {  	[tilespmem:v40+s21+$0x0] =	vst.idx.msk $0xffff, v30  }
0xf0: {  	v51 =	vor.u32 v9, v18;
	v30 =	vld.idx.msk [tilespmem:v45+s17+$0x0], $0xffff;
	[tilespmem:v46+s21+$0x0] =	vst.idx.msk $0xffff, v32  }
0xf1: {  	v52 =	vor.u32 v10, v18;
	v53 =	vor.u32 v9, v20;
	v33 =	vld.idx.msk [tilespmem:v47+s17+$0x0], $0xffff;
	[tilespmem:v48+s21+$0x0] =	vst.idx.msk $0xffff, v35  }
0xf2: {  	v54 =	vor.u32 v10, v20;
	v55 =	vor.u32 v9, v21;
	v36 =	vld.idx.msk [tilespmem:v49+s17+$0x0], $0xffff;
	[tilespmem:v50+s21+$0x0] =	vst.idx.msk $0xffff, v38  }
0xf3: {  	[tilespmem:v27+s21+$0x0] =	vst.idx.msk $0xffff, v24;
	v56 =	vor.u32 v10, v21;
	v58 =	vor.u32 v9, v22;
	v57 =	vld.idx.msk [tilespmem:v41+s17+$0x0], $0xffff  }
0xf4: {  	v26 =	vld.idx.msk [tilespmem:v26+s17+$0x0], $0xffff;
	v19 =	vor.u32 v15, v19;
	[tilespmem:v28+s21+$0x0] =	vst.idx.msk $0xffff, v25;
	v59 =	vor.u32 v10, v22  }
0xf5: {  	v28 =	vld.idx.msk [tilespmem:v29+s17+$0x0], $0xffff;
	v60 =	vor.u32 v11, v17;
	[tilespmem:v51+s21+$0x0] =	vst.idx.msk $0xffff, v30  }
0xf6: {  	v31 =	vld.idx.msk [tilespmem:v52+s17+$0x0], $0xffff;
	v61 =	vor.u32 v12, v17;
	v62 =	vor.u32 v11, v18;
	[tilespmem:v53+s21+$0x0] =	vst.idx.msk $0xffff, v33  }
0xf7: {  	v40 =	vor.u32 v11, v20;
	v34 =	vld.idx.msk [tilespmem:v54+s17+$0x0], $0xffff;
	v63 =	vor.u32 v12, v18;
	[tilespmem:v55+s21+$0x0] =	vst.idx.msk $0xffff, v36  }
0xf8: {  	v42 =	vor.u32 v11, v21;
	v24 =	vld.idx.msk [tilespmem:v56+s17+$0x0], $0xffff;
	v41 =	vor.u32 v12, v20;
	[tilespmem:v58+s21+$0x0] =	vst.idx.msk $0xffff, v57  }
0xf9: {  	v43 =	vor.u32 v12, v21;
	[tilespmem:v19+s21+$0x0] =	vst.idx.msk $0xffff, v26;
	v44 =	vor.u32 v11, v22;
	v25 =	vld.idx.msk [tilespmem:v59+s17+$0x0], $0xffff  }
0xfa: {  	v23 =	vld.idx.msk [tilespmem:v23+s17+$0x0], $0xffff;
	v45 =	vor.u32 v13, v16;
	[tilespmem:v60+s21+$0x0] =	vst.idx.msk $0xffff, v28;
	v46 =	vor.u32 v12, v22  }
0xfb: {  	v47 =	vor.u32 v14, v16;
	v30 =	vld.idx.msk [tilespmem:v61+s17+$0x0], $0xffff;
	v48 =	vor.u32 v13, v17;
	[tilespmem:v62+s21+$0x0] =	vst.idx.msk $0xffff, v31  }
0xfc: {  	v49 =	vor.u32 v14, v17;
	[tilespmem:v40+s21+$0x0] =	vst.idx.msk $0xffff, v34;
	v32 =	vld.idx.msk [tilespmem:v63+s17+$0x0], $0xffff;
	v50 =	vor.u32 v13, v18  }
0xfd: {  	v51 =	vor.u32 v14, v18;
	v52 =	vor.u32 v13, v20;
	[tilespmem:v42+s21+$0x0] =	vst.idx.msk $0xffff, v24;
	v35 =	vld.idx.msk [tilespmem:v41+s17+$0x0], $0xffff  }
0xfe: {  	v53 =	vor.u32 v14, v20;
	v54 =	vor.u32 v13, v21;
	v19 =	vld.idx.msk [tilespmem:v43+s17+$0x0], $0xffff;
	[tilespmem:v44+s21+$0x0] =	vst.idx.msk $0xffff, v25  }
0xff: {  	[tilespmem:v45+s21+$0x0] =	vst.idx.msk $0xffff, v23;
	v55 =	vor.u32 v14, v21;
	v56 =	vor.u32 v13, v22;
	v25 =	vld.idx.msk [tilespmem:v46+s17+$0x0], $0xffff  }
0x100: {  	v16 =	vor.u32 v15, v16;
	v27 =	vld.idx.msk [tilespmem:v47+s17+$0x0], $0xffff;
	[tilespmem:v48+s21+$0x0] =	vst.idx.msk $0xffff, v30;
	v57 =	vor.u32 v14, v22  }
0x101: {  	v17 =	vor.u32 v15, v17;
	[tilespmem:v50+s21+$0x0] =	vst.idx.msk $0xffff, v32;
	v58 =	vld.idx.msk [tilespmem:v49+s17+$0x0], $0xffff  }
0x102: {  	v60 =	vor.u32 v15, v18;
	v59 =	vld.idx.msk [tilespmem:v51+s17+$0x0], $0xffff;
	[tilespmem:v52+s21+$0x0] =	vst.idx.msk $0xffff, v35  }
0x103: {  	v61 =	vor.u32 v15, v20;
	[tilespmem:v54+s21+$0x0] =	vst.idx.msk $0xffff, v19;
	v24 =	vld.idx.msk [tilespmem:v53+s17+$0x0], $0xffff  }
0x104: {  	v62 =	vor.u32 v15, v21;
	v19 =	vld.idx.msk [tilespmem:v55+s17+$0x0], $0xffff;
	[tilespmem:v56+s21+$0x0] =	vst.idx.msk $0xffff, v25  }
0x105: {  	[tilespmem:v16+s21+$0x0] =	vst.idx.msk $0xffff, v27;
	v63 =	vor.u32 v15, v22;
	v16 =	vld.idx.msk [tilespmem:v57+s17+$0x0], $0xffff  }
0x106: {  	[tilespmem:v17+s21+$0x0] =	vst.idx.msk $0xffff, v58  }
0x107: {  	[tilespmem:v60+s21+$0x0] =	vst.idx.msk $0xffff, v59  }
0x108: {  	[tilespmem:v61+s21+$0x0] =	vst.idx.msk $0xffff, v24  }
0x109: {  	[tilespmem:v62+s21+$0x0] =	vst.idx.msk $0xffff, v19  }
0x10a: {  	[tilespmem:v63+s21+$0x0] =	vst.idx.msk $0xffff, v16  }
0x10b: {  	[hbm4b:s11+s3] =	stream.linear.scatter [tilespmem:s21], [sflag:$0x4], $0x4000, $0x38;
	[tilespmem:$0x10000] =	vst v63  }
0x10c: {  	s25 =	simm.s32 $0x1  }
0x10d: {  	[tilespmem:s17], [sflag:$0x2] =	stream.linear.gather [hbm4b:s9+s3], $0x4000, $0x38;
	[tilespmem:$0x10000] =	vst v63  }
.LBB2_6:
0x10e: {  	v16 =	vimm.s32 $0x0  }
0x10f: {  	_ =	swait.ge [sflag:s18], $0x4000;
	v19 =	vshll.u32 v16, $0x7  }
0x110: {  	[sflag:s18] =	ssyncset.done $0x0;
	v17 =	vor.u32 v0, v19  }
0x111: {  	[sflag:s18] =	ssyncadd.s32 $0xFFFFC000  }
0x112: {  	_ =	swait.ge [sflag:s22], $0x4000  }
0x113: {  	[sflag:s22] =	ssyncset.done $0x0  }
0x114: {  	[sflag:s22] =	ssyncadd.s32 $0xFFFFC000  }
0x115: {  	v18 =	vor.u32 v1, v19;
	v17 =	vld.idx.msk [tilespmem:v17+s3+$0x0], $0xffff  }
0x116: {  	v21 =	vadd.s32 $0x1, v16;
	v20 =	vor.u32 v2, v19  }
0x117: {  	v16 =	vshll.u32 v21, $0x7  }
0x118: {  	v22 =	vor.u32 v0, v16;
	_ =	sdelay $0x1  }
0x119: {  	[tilespmem:v18+s19+$0x0] =	vst.idx.msk $0xffff, v17  }
0x11a: {  	v18 =	vld.idx.msk [tilespmem:v20+s3+$0x0], $0xffff;
	v20 =	vor.u32 v3, v19  }
0x11b: {  	v23 =	vor.u32 v4, v19  }
0x11c: {  	v24 =	vor.u32 v1, v16;
	v22 =	vld.idx.msk [tilespmem:v22+s3+$0x0], $0xffff  }
0x11d: {  	v21 =	vadd.s32 $0x1, v21;
	v25 =	vor.u32 v2, v16  }
0x11e: {  	v17 =	vshll.u32 v21, $0x7  }
0x11f: {  	v26 =	vor.u32 v0, v17;
	[tilespmem:v20+s19+$0x0] =	vst.idx.msk $0xffff, v18  }
0x120: {  	v20 =	vor.u32 v5, v19;
	v18 =	vld.idx.msk [tilespmem:v23+s3+$0x0], $0xffff  }
0x121: {  	[tilespmem:v24+s19+$0x0] =	vst.idx.msk $0xffff, v22;
	v22 =	vor.u32 v6, v19  }
0x122: {  	v24 =	vor.u32 v3, v16;
	v23 =	vld.idx.msk [tilespmem:v25+s3+$0x0], $0xffff  }
0x123: {  	v25 =	vor.u32 v4, v16  }
0x124: {  	v21 =	vadd.s32 $0x1, v21;
	v27 =	vor.u32 v1, v17;
	v26 =	vld.idx.msk [tilespmem:v26+s3+$0x0], $0xffff  }
0x125: {  	v28 =	vor.u32 v2, v17;
	[tilespmem:v20+s19+$0x0] =	vst.idx.msk $0xffff, v18;
	v18 =	vshll.u32 v21, $0x7  }
0x126: {  	v29 =	vor.u32 v7, v19;
	v20 =	vld.idx.msk [tilespmem:v22+s3+$0x0], $0xffff;
	v22 =	vor.u32 v0, v18  }
0x127: {  	[tilespmem:v24+s19+$0x0] =	vst.idx.msk $0xffff, v23;
	v23 =	vor.u32 v8, v19  }
0x128: {  	v24 =	vld.idx.msk [tilespmem:v25+s3+$0x0], $0xffff;
	v25 =	vor.u32 v5, v16  }
0x129: {  	[tilespmem:v27+s19+$0x0] =	vst.idx.msk $0xffff, v26;
	v26 =	vor.u32 v6, v16  }
0x12a: {  	v27 =	vld.idx.msk [tilespmem:v28+s3+$0x0], $0xffff;
	v28 =	vor.u32 v3, v17  }
0x12b: {  	v30 =	vor.u32 v4, v17;
	v22 =	vld.idx.msk [tilespmem:v22+s3+$0x0], $0xffff;
	[tilespmem:v29+s19+$0x0] =	vst.idx.msk $0xffff, v20;
	v29 =	vor.u32 v1, v18  }
0x12c: {  	v32 =	vor.u32 v9, v19;
	v21 =	vadd.s32 $0x1, v21;
	v31 =	vor.u32 v2, v18;
	v23 =	vld.idx.msk [tilespmem:v23+s3+$0x0], $0xffff  }
0x12d: {  	[tilespmem:v25+s19+$0x0] =	vst.idx.msk $0xffff, v24;
	v20 =	vshll.u32 v21, $0x7;
	v24 =	vor.u32 v10, v19  }
0x12e: {  	v33 =	vor.u32 v7, v16;
	v25 =	vld.idx.msk [tilespmem:v26+s3+$0x0], $0xffff;
	v26 =	vor.u32 v0, v20  }
0x12f: {  	[tilespmem:v28+s19+$0x0] =	vst.idx.msk $0xffff, v27;
	v27 =	vor.u32 v8, v16  }
0x130: {  	v28 =	vld.idx.msk [tilespmem:v30+s3+$0x0], $0xffff;
	[tilespmem:v29+s19+$0x0] =	vst.idx.msk $0xffff, v22;
	v22 =	vor.u32 v5, v17  }
0x131: {  	v30 =	vor.u32 v6, v17;
	v29 =	vld.idx.msk [tilespmem:v31+s3+$0x0], $0xffff;
	[tilespmem:v32+s19+$0x0] =	vst.idx.msk $0xffff, v23;
	v23 =	vor.u32 v3, v18  }
0x132: {  	v62 =	vor.u32 v11, v19;
	v31 =	vor.u32 v4, v18;
	v24 =	vld.idx.msk [tilespmem:v24+s3+$0x0], $0xffff  }
0x133: {  	v63 =	vor.u32 v12, v19;
	v26 =	vld.idx.msk [tilespmem:v26+s3+$0x0], $0xffff;
	[tilespmem:v33+s19+$0x0] =	vst.idx.msk $0xffff, v25;
	v25 =	vor.u32 v1, v20  }
0x134: {  	v35 =	vor.u32 v9, v16;
	v38 =	vadd.s32 $0x1, v21;
	v34 =	vor.u32 v2, v20;
	v27 =	vld.idx.msk [tilespmem:v27+s3+$0x0], $0xffff  }
0x135: {  	v21 =	vshll.u32 v38, $0x7;
	[tilespmem:v22+s19+$0x0] =	vst.idx.msk $0xffff, v28;
	v22 =	vor.u32 v10, v16  }
0x136: {  	v28 =	vld.idx.msk [tilespmem:v30+s3+$0x0], $0xffff;
	v30 =	vor.u32 v0, v21;
	[tilespmem:v23+s19+$0x0] =	vst.idx.msk $0xffff, v29;
	v23 =	vor.u32 v7, v17  }
0x137: {  	v37 =	vor.u32 v8, v17;
	v39 =	vor.u32 v5, v18;
	v29 =	vld.idx.msk [tilespmem:v31+s3+$0x0], $0xffff;
	[tilespmem:v62+s19+$0x0] =	vst.idx.msk $0xffff, v24  }
0x138: {  	v42 =	vor.u32 v13, v19;
	v41 =	vor.u32 v6, v18;
	[tilespmem:v25+s19+$0x0] =	vst.idx.msk $0xffff, v26;
	v40 =	vld.idx.msk [tilespmem:v63+s3+$0x0], $0xffff  }
0x139: {  	v36 =	vor.u32 v1, v21;
	v32 =	vor.u32 v3, v20;
	v31 =	vld.idx.msk [tilespmem:v34+s3+$0x0], $0xffff;
	[tilespmem:v35+s19+$0x0] =	vst.idx.msk $0xffff, v27  }
0x13a: {  	v33 =	vadd.s32 $0x1, v38;
	v26 =	vor.u32 v14, v19;
	v34 =	vor.u32 v4, v20;
	v24 =	vld.idx.msk [tilespmem:v22+s3+$0x0], $0xffff  }
0x13b: {  	v27 =	vor.u32 v11, v16;
	v22 =	vshll.u32 v33, $0x7;
	v35 =	vld.idx.msk [tilespmem:v30+s3+$0x0], $0xffff;
	[tilespmem:v23+s19+$0x0] =	vst.idx.msk $0xffff, v28  }
0x13c: {  	v23 =	vor.u32 v12, v16;
	v28 =	vor.u32 v9, v17;
	v25 =	vld.idx.msk [tilespmem:v37+s3+$0x0], $0xffff;
	[tilespmem:v39+s19+$0x0] =	vst.idx.msk $0xffff, v29  }
0x13d: {  	s26 =	simm.s32 $0x79;
	v37 =	vor.u32 v2, v21;
	v29 =	vor.u32 v10, v17;
	v30 =	vld.idx.msk [tilespmem:v41+s3+$0x0], $0xffff;
	[tilespmem:v42+s19+$0x0] =	vst.idx.msk $0xffff, v40  }
.LBB2_7:
0x13e: {  	v38 =	vor.u32 v0, v22  }
0x13f: {  	p0 =	sne.s32 s26, $0x1;
	[tilespmem:v32+s19+$0x0] =	vst.idx.msk $0xffff, v31;
	v39 =	vor.u32 v7, v18;
	v40 =	vld.idx.msk [tilespmem:v26+s3+$0x0], $0xffff;
	v41 =	vmov v21;
	v21 =	vmov v22  }
0x140: {  	v42 =	vor.u32 v8, v18;
	v43 =	vor.u32 v15, v19;
	v22 =	vld.idx.msk [tilespmem:v34+s3+$0x0], $0xffff;
	[tilespmem:v27+s19+$0x0] =	vst.idx.msk $0xffff, v24  }
0x141: {  	v44 =	vor.u32 v5, v20;
	v19 =	vmov v16;
	v16 =	vmov v17;
	[tilespmem:v36+s19+$0x0] =	vst.idx.msk $0xffff, v35;
	v45 =	vld.idx.msk [tilespmem:v23+s3+$0x0], $0xffff  }
0x142: {  	v46 =	vor.u32 v6, v20;
	v47 =	vor.u32 v13, v19;
	v31 =	vld.idx.msk [tilespmem:v37+s3+$0x0], $0xffff;
	[tilespmem:v28+s19+$0x0] =	vst.idx.msk $0xffff, v25  }
.Ltmp2:
0x143: {  	v17 =	vmovc v18;
	v18 =	vmov v20;
	v32 =	vor.u32 v3, v41;
	v26 =	vor.u32 v14, v19;
	v24 =	vld.idx.msk [tilespmem:v29+s3+$0x0], $0xffff;
	(pc) =	sbr.rel @p0 .LBB2_7-.Ltmp2, $4  }
0x144: {  	v34 =	vor.u32 v4, v41;
	v27 =	vor.u32 v11, v16;
	v35 =	vld.idx.msk [tilespmem:v38+s3+$0x0], $0xffff;
	[tilespmem:v39+s19+$0x0] =	vst.idx.msk $0xffff, v30  }
0x145: {  	v36 =	vor.u32 v1, v21;
	v23 =	vor.u32 v12, v16;
	v25 =	vld.idx.msk [tilespmem:v42+s3+$0x0], $0xffff;
	[tilespmem:v43+s19+$0x0] =	vst.idx.msk $0xffff, v40  }
0x146: {  	v33 =	vadd.s32 $0x1, v33;
	v37 =	vor.u32 v2, v21;
	v28 =	vor.u32 v9, v17;
	[tilespmem:v44+s19+$0x0] =	vst.idx.msk $0xffff, v22  }
0x147: {  	s26 =	sadd.s32 $0xFFFFFFFF, s26;
	v20 =	vmov v41;
	v29 =	vor.u32 v10, v17;
	v22 =	vshll.u32 v33, $0x7;
	v30 =	vld.idx.msk [tilespmem:v46+s3+$0x0], $0xffff;
	[tilespmem:v47+s19+$0x0] =	vst.idx.msk $0xffff, v45  }
0x148: {  	v33 =	vor.u32 v0, v22;
	_ =	sdelay $0x4  }
0x149: {  	v38 =	vor.u32 v1, v22;
	v33 =	vld.idx.msk [tilespmem:v33+s3+$0x0], $0xffff  }
0x14a: {  	v39 =	vor.u32 v2, v22;
	_ =	sdelay $0x1  }
0x14b: {  	[tilespmem:v32+s19+$0x0] =	vst.idx.msk $0xffff, v31  }
0x14c: {  	v50 =	vor.u32 v5, v20;
	[tilespmem:v36+s19+$0x0] =	vst.idx.msk $0xffff, v35;
	v31 =	vld.idx.msk [tilespmem:v34+s3+$0x0], $0xffff  }
0x14d: {  	v45 =	vor.u32 v3, v21;
	v35 =	vld.idx.msk [tilespmem:v37+s3+$0x0], $0xffff;
	[tilespmem:v38+s19+$0x0] =	vst.idx.msk $0xffff, v33  }
0x14e: {  	v46 =	vor.u32 v4, v21;
	v48 =	vor.u32 v3, v22;
	v47 =	vld.idx.msk [tilespmem:v39+s3+$0x0], $0xffff  }
0x14f: {  	v49 =	vor.u32 v4, v22;
	_ =	sdelay $0x1  }
0x150: {  	[tilespmem:v50+s19+$0x0] =	vst.idx.msk $0xffff, v31  }
0x151: {  	v51 =	vor.u32 v6, v20;
	v40 =	vor.u32 v7, v18;
	[tilespmem:v45+s19+$0x0] =	vst.idx.msk $0xffff, v35  }
0x152: {  	v52 =	vor.u32 v5, v21;
	v31 =	vor.u32 v8, v18;
	v33 =	vld.idx.msk [tilespmem:v46+s3+$0x0], $0xffff;
	[tilespmem:v48+s19+$0x0] =	vst.idx.msk $0xffff, v47  }
0x153: {  	v53 =	vor.u32 v6, v21;
	v54 =	vor.u32 v5, v22;
	v37 =	vld.idx.msk [tilespmem:v49+s3+$0x0], $0xffff  }
0x154: {  	v55 =	vor.u32 v6, v22;
	_ =	sdelay $0x1  }
0x155: {  	v56 =	vor.u32 v7, v20;
	[tilespmem:v40+s19+$0x0] =	vst.idx.msk $0xffff, v30;
	v32 =	vld.idx.msk [tilespmem:v51+s3+$0x0], $0xffff  }
0x156: {  	v57 =	vor.u32 v8, v20;
	v30 =	vld.idx.msk [tilespmem:v31+s3+$0x0], $0xffff;
	v31 =	vor.u32 v9, v18;
	[tilespmem:v52+s19+$0x0] =	vst.idx.msk $0xffff, v33  }
0x157: {  	v58 =	vor.u32 v7, v21;
	v35 =	vld.idx.msk [tilespmem:v53+s3+$0x0], $0xffff;
	[tilespmem:v54+s19+$0x0] =	vst.idx.msk $0xffff, v37  }
0x158: {  	v59 =	vor.u32 v8, v21;
	v60 =	vor.u32 v7, v22;
	v38 =	vld.idx.msk [tilespmem:v55+s3+$0x0], $0xffff  }
0x159: {  	v41 =	vor.u32 v8, v22;
	[tilespmem:v28+s19+$0x0] =	vst.idx.msk $0xffff, v25  }
0x15a: {  	[tilespmem:v56+s19+$0x0] =	vst.idx.msk $0xffff, v32  }
0x15b: {  	v61 =	vor.u32 v10, v18;
	v62 =	vor.u32 v9, v20;
	v33 =	vld.idx.msk [tilespmem:v57+s3+$0x0], $0xffff;
	[tilespmem:v31+s19+$0x0] =	vst.idx.msk $0xffff, v30  }
0x15c: {  	v63 =	vor.u32 v10, v20;
	v28 =	vld.idx.msk [tilespmem:v29+s3+$0x0], $0xffff;
	v29 =	vor.u32 v11, v17;
	[tilespmem:v58+s19+$0x0] =	vst.idx.msk $0xffff, v35  }
0x15d: {  	v40 =	vor.u32 v9, v21;
	v30 =	vor.u32 v12, v17;
	v36 =	vld.idx.msk [tilespmem:v59+s3+$0x0], $0xffff;
	[tilespmem:v60+s19+$0x0] =	vst.idx.msk $0xffff, v38  }
0x15e: {  	[tilespmem:v27+s19+$0x0] =	vst.idx.msk $0xffff, v24;
	v24 =	vor.u32 v10, v21;
	v42 =	vor.u32 v9, v22;
	v27 =	vld.idx.msk [tilespmem:v41+s3+$0x0], $0xffff  }
0x15f: {  	v26 =	vld.idx.msk [tilespmem:v26+s3+$0x0], $0xffff;
	v19 =	vor.u32 v15, v19;
	v25 =	vor.u32 v10, v22  }
0x160: {  	v43 =	vor.u32 v11, v18;
	v31 =	vld.idx.msk [tilespmem:v61+s3+$0x0], $0xffff;
	[tilespmem:v62+s19+$0x0] =	vst.idx.msk $0xffff, v33  }
0x161: {  	v44 =	vor.u32 v12, v18;
	v45 =	vor.u32 v11, v20;
	[tilespmem:v29+s19+$0x0] =	vst.idx.msk $0xffff, v28;
	v34 =	vld.idx.msk [tilespmem:v63+s3+$0x0], $0xffff  }
0x162: {  	v46 =	vor.u32 v12, v20;
	v48 =	vor.u32 v13, v17;
	v30 =	vld.idx.msk [tilespmem:v30+s3+$0x0], $0xffff;
	[tilespmem:v40+s19+$0x0] =	vst.idx.msk $0xffff, v36  }
0x163: {  	v47 =	vor.u32 v11, v21;
	v24 =	vld.idx.msk [tilespmem:v24+s3+$0x0], $0xffff;
	[tilespmem:v42+s19+$0x0] =	vst.idx.msk $0xffff, v27  }
0x164: {  	[tilespmem:v19+s19+$0x0] =	vst.idx.msk $0xffff, v26;
	v19 =	vor.u32 v12, v21;
	v26 =	vor.u32 v11, v22;
	v25 =	vld.idx.msk [tilespmem:v25+s3+$0x0], $0xffff  }
0x165: {  	v23 =	vld.idx.msk [tilespmem:v23+s3+$0x0], $0xffff;
	v28 =	vor.u32 v12, v22;
	[tilespmem:v43+s19+$0x0] =	vst.idx.msk $0xffff, v31;
	v27 =	vor.u32 v13, v16  }
0x166: {  	v29 =	vor.u32 v14, v16;
	v49 =	vor.u32 v13, v18;
	v32 =	vld.idx.msk [tilespmem:v44+s3+$0x0], $0xffff;
	[tilespmem:v45+s19+$0x0] =	vst.idx.msk $0xffff, v34  }
0x167: {  	v50 =	vor.u32 v14, v18;
	v51 =	vor.u32 v13, v20;
	[tilespmem:v48+s19+$0x0] =	vst.idx.msk $0xffff, v30;
	v35 =	vld.idx.msk [tilespmem:v46+s3+$0x0], $0xffff  }
0x168: {  	[tilespmem:v47+s19+$0x0] =	vst.idx.msk $0xffff, v24;
	v24 =	vor.u32 v14, v20  }
0x169: {  	v52 =	vor.u32 v13, v21;
	v31 =	vor.u32 v14, v17;
	v19 =	vld.idx.msk [tilespmem:v19+s3+$0x0], $0xffff;
	[tilespmem:v26+s19+$0x0] =	vst.idx.msk $0xffff, v25  }
0x16a: {  	[tilespmem:v27+s19+$0x0] =	vst.idx.msk $0xffff, v23;
	v23 =	vor.u32 v14, v21;
	v26 =	vor.u32 v13, v22;
	v25 =	vld.idx.msk [tilespmem:v28+s3+$0x0], $0xffff  }
0x16b: {  	[tilespmem:v49+s19+$0x0] =	vst.idx.msk $0xffff, v32;
	v16 =	vor.u32 v15, v16;
	v27 =	vld.idx.msk [tilespmem:v29+s3+$0x0], $0xffff;
	v28 =	vor.u32 v14, v22  }
0x16c: {  	v18 =	vor.u32 v15, v18;
	v30 =	vld.idx.msk [tilespmem:v50+s3+$0x0], $0xffff;
	[tilespmem:v51+s19+$0x0] =	vst.idx.msk $0xffff, v35  }
0x16d: {  	v20 =	vor.u32 v15, v20;
	v24 =	vld.idx.msk [tilespmem:v24+s3+$0x0], $0xffff  }
0x16e: {  	v17 =	vor.u32 v15, v17;
	[tilespmem:v52+s19+$0x0] =	vst.idx.msk $0xffff, v19;
	v29 =	vld.idx.msk [tilespmem:v31+s3+$0x0], $0xffff  }
0x16f: {  	v21 =	vor.u32 v15, v21;
	v19 =	vld.idx.msk [tilespmem:v23+s3+$0x0], $0xffff;
	[tilespmem:v26+s19+$0x0] =	vst.idx.msk $0xffff, v25  }
0x170: {  	v22 =	vor.u32 v15, v22;
	[tilespmem:v16+s19+$0x0] =	vst.idx.msk $0xffff, v27;
	v16 =	vld.idx.msk [tilespmem:v28+s3+$0x0], $0xffff  }
0x171: {  	[tilespmem:v18+s19+$0x0] =	vst.idx.msk $0xffff, v30  }
0x172: {  	[tilespmem:v20+s19+$0x0] =	vst.idx.msk $0xffff, v24  }
0x173: {  	[tilespmem:v17+s19+$0x0] =	vst.idx.msk $0xffff, v29  }
0x174: {  	s28 =	sshll.u32 s25, $0xC;
	[tilespmem:v21+s19+$0x0] =	vst.idx.msk $0xffff, v19  }
0x175: {  	s26 =	sshll.u32 s25, $0x8;
	s28 =	sadd.s32 s28, s10;
	[tilespmem:v22+s19+$0x0] =	vst.idx.msk $0xffff, v16  }
0x176: {  	[hbm4b:s28+s3] =	stream.linear.scatter [tilespmem:s19], [sflag:$0x3], $0x4000, $0x38;
	[tilespmem:$0x10000] =	vst v63  }
0x177: {  	s28 =	sadd.s32 s26, s12  }
0x178: {  	s28 =	sshll.u32 s28, $0x4  }
0x179: {  	s28 =	sand.u32 $0x1FFFF000, s28  }
0x17a: {  	s28 =	sadd.s32 s4, s28  }
0x17b: {  	v16 =	vimm.s32 $0x0;
	[tilespmem:s3], [sflag:$0x1] =	stream.linear.gather [hbm4b:s28+s3], $0x4000, $0x38;
	[tilespmem:$0x10000] =	vst v63  }
0x17c: {  	v19 =	vshll.u32 v16, $0x7;
	_ =	swait.ge [sflag:s20], $0x4000  }
0x17d: {  	v17 =	vor.u32 v0, v19;
	[sflag:s20] =	ssyncset.done $0x0  }
0x17e: {  	[sflag:s20] =	ssyncadd.s32 $0xFFFFC000  }
0x17f: {  	_ =	swait.ge [sflag:s23], $0x4000  }
0x180: {  	[sflag:s23] =	ssyncset.done $0x0  }
0x181: {  	[sflag:s23] =	ssyncadd.s32 $0xFFFFC000  }
0x182: {  	v18 =	vor.u32 v1, v19;
	v17 =	vld.idx.msk [tilespmem:v17+s17+$0x0], $0xffff  }
0x183: {  	v21 =	vadd.s32 $0x1, v16;
	v20 =	vor.u32 v2, v19  }
0x184: {  	v16 =	vshll.u32 v21, $0x7  }
0x185: {  	v22 =	vor.u32 v0, v16;
	_ =	sdelay $0x1  }
0x186: {  	[tilespmem:v18+s21+$0x0] =	vst.idx.msk $0xffff, v17  }
0x187: {  	v18 =	vld.idx.msk [tilespmem:v20+s17+$0x0], $0xffff;
	v20 =	vor.u32 v3, v19  }
0x188: {  	v23 =	vor.u32 v4, v19  }
0x189: {  	v24 =	vor.u32 v1, v16;
	v22 =	vld.idx.msk [tilespmem:v22+s17+$0x0], $0xffff  }
0x18a: {  	v21 =	vadd.s32 $0x1, v21;
	v25 =	vor.u32 v2, v16  }
0x18b: {  	v17 =	vshll.u32 v21, $0x7  }
0x18c: {  	v26 =	vor.u32 v0, v17;
	[tilespmem:v20+s21+$0x0] =	vst.idx.msk $0xffff, v18  }
0x18d: {  	v20 =	vor.u32 v5, v19;
	v18 =	vld.idx.msk [tilespmem:v23+s17+$0x0], $0xffff  }
0x18e: {  	[tilespmem:v24+s21+$0x0] =	vst.idx.msk $0xffff, v22;
	v22 =	vor.u32 v6, v19  }
0x18f: {  	v24 =	vor.u32 v3, v16;
	v23 =	vld.idx.msk [tilespmem:v25+s17+$0x0], $0xffff  }
0x190: {  	v25 =	vor.u32 v4, v16  }
0x191: {  	v21 =	vadd.s32 $0x1, v21;
	v27 =	vor.u32 v1, v17;
	v26 =	vld.idx.msk [tilespmem:v26+s17+$0x0], $0xffff  }
0x192: {  	v28 =	vor.u32 v2, v17;
	[tilespmem:v20+s21+$0x0] =	vst.idx.msk $0xffff, v18;
	v18 =	vshll.u32 v21, $0x7  }
0x193: {  	v29 =	vor.u32 v7, v19;
	v20 =	vld.idx.msk [tilespmem:v22+s17+$0x0], $0xffff;
	v22 =	vor.u32 v0, v18  }
0x194: {  	[tilespmem:v24+s21+$0x0] =	vst.idx.msk $0xffff, v23;
	v23 =	vor.u32 v8, v19  }
0x195: {  	v24 =	vld.idx.msk [tilespmem:v25+s17+$0x0], $0xffff;
	v25 =	vor.u32 v5, v16  }
0x196: {  	[tilespmem:v27+s21+$0x0] =	vst.idx.msk $0xffff, v26;
	v26 =	vor.u32 v6, v16  }
0x197: {  	v27 =	vld.idx.msk [tilespmem:v28+s17+$0x0], $0xffff;
	v28 =	vor.u32 v3, v17  }
0x198: {  	v30 =	vor.u32 v4, v17;
	v22 =	vld.idx.msk [tilespmem:v22+s17+$0x0], $0xffff;
	[tilespmem:v29+s21+$0x0] =	vst.idx.msk $0xffff, v20;
	v29 =	vor.u32 v1, v18  }
0x199: {  	v53 =	vor.u32 v9, v19;
	v21 =	vadd.s32 $0x1, v21;
	v31 =	vor.u32 v2, v18;
	v23 =	vld.idx.msk [tilespmem:v23+s17+$0x0], $0xffff  }
0x19a: {  	[tilespmem:v25+s21+$0x0] =	vst.idx.msk $0xffff, v24;
	v20 =	vshll.u32 v21, $0x7;
	v24 =	vor.u32 v10, v19  }
0x19b: {  	v54 =	vor.u32 v7, v16;
	v25 =	vld.idx.msk [tilespmem:v26+s17+$0x0], $0xffff;
	v26 =	vor.u32 v0, v20  }
0x19c: {  	[tilespmem:v28+s21+$0x0] =	vst.idx.msk $0xffff, v27;
	v27 =	vor.u32 v8, v16  }
0x19d: {  	v28 =	vld.idx.msk [tilespmem:v30+s17+$0x0], $0xffff;
	[tilespmem:v29+s21+$0x0] =	vst.idx.msk $0xffff, v22;
	v22 =	vor.u32 v5, v17  }
0x19e: {  	v30 =	vor.u32 v6, v17;
	v29 =	vld.idx.msk [tilespmem:v31+s17+$0x0], $0xffff;
	[tilespmem:v53+s21+$0x0] =	vst.idx.msk $0xffff, v23;
	v23 =	vor.u32 v3, v18  }
0x19f: {  	v55 =	vor.u32 v11, v19;
	v31 =	vor.u32 v4, v18;
	v24 =	vld.idx.msk [tilespmem:v24+s17+$0x0], $0xffff  }
0x1a0: {  	v56 =	vor.u32 v12, v19;
	v26 =	vld.idx.msk [tilespmem:v26+s17+$0x0], $0xffff;
	[tilespmem:v54+s21+$0x0] =	vst.idx.msk $0xffff, v25;
	v25 =	vor.u32 v1, v20  }
0x1a1: {  	v59 =	vor.u32 v9, v16;
	v58 =	vadd.s32 $0x1, v21;
	v57 =	vor.u32 v2, v20;
	v27 =	vld.idx.msk [tilespmem:v27+s17+$0x0], $0xffff  }
0x1a2: {  	v21 =	vshll.u32 v58, $0x7;
	[tilespmem:v22+s21+$0x0] =	vst.idx.msk $0xffff, v28;
	v22 =	vor.u32 v10, v16  }
0x1a3: {  	v28 =	vld.idx.msk [tilespmem:v30+s17+$0x0], $0xffff;
	v30 =	vor.u32 v0, v21;
	[tilespmem:v23+s21+$0x0] =	vst.idx.msk $0xffff, v29;
	v23 =	vor.u32 v7, v17  }
0x1a4: {  	v60 =	vor.u32 v8, v17;
	v61 =	vor.u32 v5, v18;
	v29 =	vld.idx.msk [tilespmem:v31+s17+$0x0], $0xffff;
	[tilespmem:v55+s21+$0x0] =	vst.idx.msk $0xffff, v24  }
0x1a5: {  	v42 =	vor.u32 v13, v19;
	v63 =	vor.u32 v6, v18;
	[tilespmem:v25+s21+$0x0] =	vst.idx.msk $0xffff, v26;
	v62 =	vld.idx.msk [tilespmem:v56+s17+$0x0], $0xffff  }
0x1a6: {  	v33 =	vadd.s32 $0x1, v58;
	v32 =	vor.u32 v3, v20;
	v31 =	vld.idx.msk [tilespmem:v57+s17+$0x0], $0xffff;
	[tilespmem:v59+s21+$0x0] =	vst.idx.msk $0xffff, v27  }
0x1a7: {  	v34 =	vor.u32 v4, v20;
	v36 =	vor.u32 v1, v21;
	v26 =	vor.u32 v14, v19;
	v24 =	vld.idx.msk [tilespmem:v22+s17+$0x0], $0xffff  }
0x1a8: {  	v37 =	vor.u32 v2, v21;
	v27 =	vor.u32 v11, v16;
	v35 =	vld.idx.msk [tilespmem:v30+s17+$0x0], $0xffff;
	[tilespmem:v23+s21+$0x0] =	vst.idx.msk $0xffff, v28  }
0x1a9: {  	v22 =	vshll.u32 v33, $0x7;
	v23 =	vor.u32 v12, v16;
	v25 =	vld.idx.msk [tilespmem:v60+s17+$0x0], $0xffff;
	[tilespmem:v61+s21+$0x0] =	vst.idx.msk $0xffff, v29  }
0x1aa: {  	s28 =	simm.s32 $0x79;
	v28 =	vor.u32 v9, v17;
	v29 =	vor.u32 v10, v17;
	v30 =	vld.idx.msk [tilespmem:v63+s17+$0x0], $0xffff;
	[tilespmem:v42+s21+$0x0] =	vst.idx.msk $0xffff, v62  }
.LBB2_9:
0x1ab: {  	v38 =	vor.u32 v0, v22  }
0x1ac: {  	p0 =	sne.s32 s28, $0x1;
	[tilespmem:v32+s21+$0x0] =	vst.idx.msk $0xffff, v31;
	v39 =	vor.u32 v7, v18;
	v40 =	vld.idx.msk [tilespmem:v26+s17+$0x0], $0xffff;
	v41 =	vmov v21;
	v21 =	vmov v22  }
0x1ad: {  	v42 =	vor.u32 v8, v18;
	v43 =	vor.u32 v15, v19;
	v22 =	vld.idx.msk [tilespmem:v34+s17+$0x0], $0xffff;
	[tilespmem:v27+s21+$0x0] =	vst.idx.msk $0xffff, v24  }
0x1ae: {  	v44 =	vor.u32 v5, v20;
	v19 =	vmov v16;
	v16 =	vmov v17;
	[tilespmem:v36+s21+$0x0] =	vst.idx.msk $0xffff, v35;
	v45 =	vld.idx.msk [tilespmem:v23+s17+$0x0], $0xffff  }
0x1af: {  	v46 =	vor.u32 v6, v20;
	v47 =	vor.u32 v13, v19;
	v31 =	vld.idx.msk [tilespmem:v37+s17+$0x0], $0xffff;
	[tilespmem:v28+s21+$0x0] =	vst.idx.msk $0xffff, v25  }
.Ltmp3:
0x1b0: {  	v17 =	vmovc v18;
	v18 =	vmov v20;
	v32 =	vor.u32 v3, v41;
	v26 =	vor.u32 v14, v19;
	v24 =	vld.idx.msk [tilespmem:v29+s17+$0x0], $0xffff;
	(pc) =	sbr.rel @p0 .LBB2_9-.Ltmp3, $4  }
0x1b1: {  	v34 =	vor.u32 v4, v41;
	v27 =	vor.u32 v11, v16;
	v35 =	vld.idx.msk [tilespmem:v38+s17+$0x0], $0xffff;
	[tilespmem:v39+s21+$0x0] =	vst.idx.msk $0xffff, v30  }
0x1b2: {  	v36 =	vor.u32 v1, v21;
	v23 =	vor.u32 v12, v16;
	v25 =	vld.idx.msk [tilespmem:v42+s17+$0x0], $0xffff;
	[tilespmem:v43+s21+$0x0] =	vst.idx.msk $0xffff, v40  }
0x1b3: {  	v33 =	vadd.s32 $0x1, v33;
	v37 =	vor.u32 v2, v21;
	v28 =	vor.u32 v9, v17;
	[tilespmem:v44+s21+$0x0] =	vst.idx.msk $0xffff, v22  }
0x1b4: {  	s28 =	sadd.s32 $0xFFFFFFFF, s28;
	v20 =	vmov v41;
	v29 =	vor.u32 v10, v17;
	v22 =	vshll.u32 v33, $0x7;
	v30 =	vld.idx.msk [tilespmem:v46+s17+$0x0], $0xffff;
	[tilespmem:v47+s21+$0x0] =	vst.idx.msk $0xffff, v45  }
0x1b5: {  	v33 =	vor.u32 v0, v22;
	_ =	sdelay $0x4  }
0x1b6: {  	v38 =	vor.u32 v1, v22;
	v33 =	vld.idx.msk [tilespmem:v33+s17+$0x0], $0xffff  }
0x1b7: {  	v39 =	vor.u32 v2, v22;
	_ =	sdelay $0x2  }
0x1b8: {  	[tilespmem:v36+s21+$0x0] =	vst.idx.msk $0xffff, v35  }
0x1b9: {  	v54 =	vor.u32 v3, v21;
	v35 =	vld.idx.msk [tilespmem:v37+s17+$0x0], $0xffff;
	[tilespmem:v38+s21+$0x0] =	vst.idx.msk $0xffff, v33  }
0x1ba: {  	v55 =	vor.u32 v4, v21;
	v57 =	vor.u32 v3, v22;
	v56 =	vld.idx.msk [tilespmem:v39+s17+$0x0], $0xffff  }
0x1bb: {  	v58 =	vor.u32 v4, v22;
	_ =	sdelay $0x1  }
0x1bc: {  	[tilespmem:v32+s21+$0x0] =	vst.idx.msk $0xffff, v31  }
0x1bd: {  	v59 =	vor.u32 v5, v20;
	v31 =	vld.idx.msk [tilespmem:v34+s17+$0x0], $0xffff;
	[tilespmem:v54+s21+$0x0] =	vst.idx.msk $0xffff, v35  }
0x1be: {  	v60 =	vor.u32 v6, v20;
	v61 =	vor.u32 v5, v21;
	v33 =	vld.idx.msk [tilespmem:v55+s17+$0x0], $0xffff;
	[tilespmem:v57+s21+$0x0] =	vst.idx.msk $0xffff, v56  }
0x1bf: {  	v62 =	vor.u32 v6, v21;
	v63 =	vor.u32 v5, v22;
	v37 =	vld.idx.msk [tilespmem:v58+s17+$0x0], $0xffff  }
0x1c0: {  	v44 =	vor.u32 v6, v22;
	_ =	sdelay $0x1  }
0x1c1: {  	v40 =	vor.u32 v7, v18;
	[tilespmem:v59+s21+$0x0] =	vst.idx.msk $0xffff, v31  }
0x1c2: {  	v45 =	vor.u32 v8, v18;
	v46 =	vor.u32 v7, v20;
	v32 =	vld.idx.msk [tilespmem:v60+s17+$0x0], $0xffff;
	[tilespmem:v61+s21+$0x0] =	vst.idx.msk $0xffff, v33  }
0x1c3: {  	v47 =	vor.u32 v8, v20;
	v48 =	vor.u32 v7, v21;
	v35 =	vld.idx.msk [tilespmem:v62+s17+$0x0], $0xffff;
	[tilespmem:v63+s21+$0x0] =	vst.idx.msk $0xffff, v37  }
0x1c4: {  	v49 =	vor.u32 v8, v21;
	v50 =	vor.u32 v7, v22;
	v38 =	vld.idx.msk [tilespmem:v44+s17+$0x0], $0xffff  }
0x1c5: {  	v41 =	vor.u32 v8, v22  }
0x1c6: {  	[tilespmem:v40+s21+$0x0] =	vst.idx.msk $0xffff, v30  }
0x1c7: {  	v51 =	vor.u32 v9, v18;
	v30 =	vld.idx.msk [tilespmem:v45+s17+$0x0], $0xffff;
	[tilespmem:v46+s21+$0x0] =	vst.idx.msk $0xffff, v32  }
0x1c8: {  	v52 =	vor.u32 v10, v18;
	v53 =	vor.u32 v9, v20;
	v33 =	vld.idx.msk [tilespmem:v47+s17+$0x0], $0xffff;
	[tilespmem:v48+s21+$0x0] =	vst.idx.msk $0xffff, v35  }
0x1c9: {  	v54 =	vor.u32 v10, v20;
	v55 =	vor.u32 v9, v21;
	v36 =	vld.idx.msk [tilespmem:v49+s17+$0x0], $0xffff;
	[tilespmem:v50+s21+$0x0] =	vst.idx.msk $0xffff, v38  }
0x1ca: {  	[tilespmem:v27+s21+$0x0] =	vst.idx.msk $0xffff, v24;
	v56 =	vor.u32 v10, v21;
	v58 =	vor.u32 v9, v22;
	v57 =	vld.idx.msk [tilespmem:v41+s17+$0x0], $0xffff  }
0x1cb: {  	v26 =	vld.idx.msk [tilespmem:v26+s17+$0x0], $0xffff;
	v19 =	vor.u32 v15, v19;
	[tilespmem:v28+s21+$0x0] =	vst.idx.msk $0xffff, v25;
	v59 =	vor.u32 v10, v22  }
0x1cc: {  	v28 =	vld.idx.msk [tilespmem:v29+s17+$0x0], $0xffff;
	v60 =	vor.u32 v11, v17;
	[tilespmem:v51+s21+$0x0] =	vst.idx.msk $0xffff, v30  }
0x1cd: {  	v31 =	vld.idx.msk [tilespmem:v52+s17+$0x0], $0xffff;
	v61 =	vor.u32 v12, v17;
	v62 =	vor.u32 v11, v18;
	[tilespmem:v53+s21+$0x0] =	vst.idx.msk $0xffff, v33  }
0x1ce: {  	v40 =	vor.u32 v11, v20;
	v34 =	vld.idx.msk [tilespmem:v54+s17+$0x0], $0xffff;
	v63 =	vor.u32 v12, v18;
	[tilespmem:v55+s21+$0x0] =	vst.idx.msk $0xffff, v36  }
0x1cf: {  	v42 =	vor.u32 v11, v21;
	v24 =	vld.idx.msk [tilespmem:v56+s17+$0x0], $0xffff;
	v41 =	vor.u32 v12, v20;
	[tilespmem:v58+s21+$0x0] =	vst.idx.msk $0xffff, v57  }
0x1d0: {  	v43 =	vor.u32 v12, v21;
	[tilespmem:v19+s21+$0x0] =	vst.idx.msk $0xffff, v26;
	v44 =	vor.u32 v11, v22;
	v25 =	vld.idx.msk [tilespmem:v59+s17+$0x0], $0xffff  }
0x1d1: {  	v23 =	vld.idx.msk [tilespmem:v23+s17+$0x0], $0xffff;
	v45 =	vor.u32 v13, v16;
	[tilespmem:v60+s21+$0x0] =	vst.idx.msk $0xffff, v28;
	v46 =	vor.u32 v12, v22  }
0x1d2: {  	v47 =	vor.u32 v14, v16;
	v30 =	vld.idx.msk [tilespmem:v61+s17+$0x0], $0xffff;
	v48 =	vor.u32 v13, v17;
	[tilespmem:v62+s21+$0x0] =	vst.idx.msk $0xffff, v31  }
0x1d3: {  	v49 =	vor.u32 v14, v17;
	[tilespmem:v40+s21+$0x0] =	vst.idx.msk $0xffff, v34;
	v32 =	vld.idx.msk [tilespmem:v63+s17+$0x0], $0xffff;
	v50 =	vor.u32 v13, v18  }
0x1d4: {  	v51 =	vor.u32 v14, v18;
	v52 =	vor.u32 v13, v20;
	[tilespmem:v42+s21+$0x0] =	vst.idx.msk $0xffff, v24;
	v35 =	vld.idx.msk [tilespmem:v41+s17+$0x0], $0xffff  }
0x1d5: {  	v53 =	vor.u32 v14, v20;
	v54 =	vor.u32 v13, v21;
	v19 =	vld.idx.msk [tilespmem:v43+s17+$0x0], $0xffff;
	[tilespmem:v44+s21+$0x0] =	vst.idx.msk $0xffff, v25  }
0x1d6: {  	[tilespmem:v45+s21+$0x0] =	vst.idx.msk $0xffff, v23;
	v55 =	vor.u32 v14, v21;
	v56 =	vor.u32 v13, v22;
	v25 =	vld.idx.msk [tilespmem:v46+s17+$0x0], $0xffff  }
0x1d7: {  	v16 =	vor.u32 v15, v16;
	v27 =	vld.idx.msk [tilespmem:v47+s17+$0x0], $0xffff;
	[tilespmem:v48+s21+$0x0] =	vst.idx.msk $0xffff, v30;
	v57 =	vor.u32 v14, v22  }
0x1d8: {  	v17 =	vor.u32 v15, v17;
	[tilespmem:v50+s21+$0x0] =	vst.idx.msk $0xffff, v32;
	v58 =	vld.idx.msk [tilespmem:v49+s17+$0x0], $0xffff  }
0x1d9: {  	v60 =	vor.u32 v15, v18;
	v59 =	vld.idx.msk [tilespmem:v51+s17+$0x0], $0xffff;
	[tilespmem:v52+s21+$0x0] =	vst.idx.msk $0xffff, v35  }
0x1da: {  	v61 =	vor.u32 v15, v20;
	[tilespmem:v54+s21+$0x0] =	vst.idx.msk $0xffff, v19;
	v24 =	vld.idx.msk [tilespmem:v53+s17+$0x0], $0xffff  }
0x1db: {  	v62 =	vor.u32 v15, v21;
	v19 =	vld.idx.msk [tilespmem:v55+s17+$0x0], $0xffff;
	[tilespmem:v56+s21+$0x0] =	vst.idx.msk $0xffff, v25  }
0x1dc: {  	[tilespmem:v16+s21+$0x0] =	vst.idx.msk $0xffff, v27;
	v63 =	vor.u32 v15, v22;
	v16 =	vld.idx.msk [tilespmem:v57+s17+$0x0], $0xffff  }
0x1dd: {  	[tilespmem:v17+s21+$0x0] =	vst.idx.msk $0xffff, v58  }
0x1de: {  	s28 =	sadd.s32 s26, s5;
	s25 =	sadd.s32 $0x1, s25;
	[tilespmem:v60+s21+$0x0] =	vst.idx.msk $0xffff, v59  }
0x1df: {  	s31 =	sadd.s32 s26, s13;
	s28 =	sshll.u32 s28, $0x4;
	p0 =	sne.s32 s25, $0xF;
	[tilespmem:v61+s21+$0x0] =	vst.idx.msk $0xffff, v24  }
.Ltmp4:
0x1e0: {  	s26 =	sshll.u32 s31, $0x4;
	s28 =	sadd.s32 s1, s28;
	[tilespmem:v62+s21+$0x0] =	vst.idx.msk $0xffff, v19;
	(pc) =	sbr.rel @p0 .LBB2_6-.Ltmp4, $4  }
0x1e1: {  	s26 =	sand.u32 $0x1FFFF800, s26;
	s28 =	sadd.s32 $0x800, s28;
	[tilespmem:v63+s21+$0x0] =	vst.idx.msk $0xffff, v16  }
0x1e2: {  	[hbm4b:s28+s3] =	stream.linear.scatter [tilespmem:s21], [sflag:$0x4], $0x4000, $0x38;
	[tilespmem:$0x10000] =	vst v63  }
0x1e3: {  	s26 =	sadd.s32 s4, s26  }
0x1e4: {  	[tilespmem:s17], [sflag:$0x2] =	stream.linear.gather [hbm4b:s26+s3], $0x4000, $0x38;
	[tilespmem:$0x10000] =	vst v63  }
0x1e5: {  	v16 =	vimm.s32 $0x0  }
0x1e6: {  	_ =	swait.ge [sflag:s18], $0x4000;
	v19 =	vshll.u32 v16, $0x7  }
0x1e7: {  	[sflag:s18] =	ssyncset.done $0x0;
	v17 =	vor.u32 v0, v19  }
0x1e8: {  	[sflag:s18] =	ssyncadd.s32 $0xFFFFC000  }
0x1e9: {  	_ =	swait.ge [sflag:s22], $0x4000  }
0x1ea: {  	[sflag:s22] =	ssyncset.done $0x0  }
0x1eb: {  	[sflag:s22] =	ssyncadd.s32 $0xFFFFC000  }
0x1ec: {  	v18 =	vor.u32 v1, v19;
	v17 =	vld.idx.msk [tilespmem:v17+s3+$0x0], $0xffff  }
0x1ed: {  	v21 =	vadd.s32 $0x1, v16;
	v20 =	vor.u32 v2, v19  }
0x1ee: {  	v16 =	vshll.u32 v21, $0x7  }
0x1ef: {  	v22 =	vor.u32 v0, v16;
	_ =	sdelay $0x1  }
0x1f0: {  	[tilespmem:v18+s19+$0x0] =	vst.idx.msk $0xffff, v17  }
0x1f1: {  	v18 =	vld.idx.msk [tilespmem:v20+s3+$0x0], $0xffff;
	v20 =	vor.u32 v3, v19  }
0x1f2: {  	v23 =	vor.u32 v4, v19  }
0x1f3: {  	v24 =	vor.u32 v1, v16;
	v22 =	vld.idx.msk [tilespmem:v22+s3+$0x0], $0xffff  }
0x1f4: {  	v21 =	vadd.s32 $0x1, v21;
	v25 =	vor.u32 v2, v16  }
0x1f5: {  	v17 =	vshll.u32 v21, $0x7  }
0x1f6: {  	v26 =	vor.u32 v0, v17;
	[tilespmem:v20+s19+$0x0] =	vst.idx.msk $0xffff, v18  }
0x1f7: {  	v20 =	vor.u32 v5, v19;
	v18 =	vld.idx.msk [tilespmem:v23+s3+$0x0], $0xffff  }
0x1f8: {  	[tilespmem:v24+s19+$0x0] =	vst.idx.msk $0xffff, v22;
	v22 =	vor.u32 v6, v19  }
0x1f9: {  	v24 =	vor.u32 v3, v16;
	v23 =	vld.idx.msk [tilespmem:v25+s3+$0x0], $0xffff  }
0x1fa: {  	v25 =	vor.u32 v4, v16  }
0x1fb: {  	v21 =	vadd.s32 $0x1, v21;
	v27 =	vor.u32 v1, v17;
	v26 =	vld.idx.msk [tilespmem:v26+s3+$0x0], $0xffff  }
0x1fc: {  	v28 =	vor.u32 v2, v17;
	[tilespmem:v20+s19+$0x0] =	vst.idx.msk $0xffff, v18;
	v18 =	vshll.u32 v21, $0x7  }
0x1fd: {  	v29 =	vor.u32 v7, v19;
	v20 =	vld.idx.msk [tilespmem:v22+s3+$0x0], $0xffff;
	v22 =	vor.u32 v0, v18  }
0x1fe: {  	[tilespmem:v24+s19+$0x0] =	vst.idx.msk $0xffff, v23;
	v23 =	vor.u32 v8, v19  }
0x1ff: {  	v24 =	vld.idx.msk [tilespmem:v25+s3+$0x0], $0xffff;
	v25 =	vor.u32 v5, v16  }
0x200: {  	[tilespmem:v27+s19+$0x0] =	vst.idx.msk $0xffff, v26;
	v26 =	vor.u32 v6, v16  }
0x201: {  	v27 =	vld.idx.msk [tilespmem:v28+s3+$0x0], $0xffff;
	v28 =	vor.u32 v3, v17  }
0x202: {  	v30 =	vor.u32 v4, v17;
	v22 =	vld.idx.msk [tilespmem:v22+s3+$0x0], $0xffff;
	[tilespmem:v29+s19+$0x0] =	vst.idx.msk $0xffff, v20;
	v29 =	vor.u32 v1, v18  }
0x203: {  	v32 =	vor.u32 v9, v19;
	v21 =	vadd.s32 $0x1, v21;
	v31 =	vor.u32 v2, v18;
	v23 =	vld.idx.msk [tilespmem:v23+s3+$0x0], $0xffff  }
0x204: {  	[tilespmem:v25+s19+$0x0] =	vst.idx.msk $0xffff, v24;
	v20 =	vshll.u32 v21, $0x7;
	v24 =	vor.u32 v10, v19  }
0x205: {  	v33 =	vor.u32 v7, v16;
	v25 =	vld.idx.msk [tilespmem:v26+s3+$0x0], $0xffff;
	v26 =	vor.u32 v0, v20  }
0x206: {  	[tilespmem:v28+s19+$0x0] =	vst.idx.msk $0xffff, v27;
	v27 =	vor.u32 v8, v16  }
0x207: {  	v28 =	vld.idx.msk [tilespmem:v30+s3+$0x0], $0xffff;
	[tilespmem:v29+s19+$0x0] =	vst.idx.msk $0xffff, v22;
	v22 =	vor.u32 v5, v17  }
0x208: {  	v30 =	vor.u32 v6, v17;
	v29 =	vld.idx.msk [tilespmem:v31+s3+$0x0], $0xffff;
	[tilespmem:v32+s19+$0x0] =	vst.idx.msk $0xffff, v23;
	v23 =	vor.u32 v3, v18  }
0x209: {  	v62 =	vor.u32 v11, v19;
	v31 =	vor.u32 v4, v18;
	v24 =	vld.idx.msk [tilespmem:v24+s3+$0x0], $0xffff  }
0x20a: {  	v63 =	vor.u32 v12, v19;
	v26 =	vld.idx.msk [tilespmem:v26+s3+$0x0], $0xffff;
	[tilespmem:v33+s19+$0x0] =	vst.idx.msk $0xffff, v25;
	v25 =	vor.u32 v1, v20  }
0x20b: {  	v35 =	vor.u32 v9, v16;
	v38 =	vadd.s32 $0x1, v21;
	v34 =	vor.u32 v2, v20;
	v27 =	vld.idx.msk [tilespmem:v27+s3+$0x0], $0xffff  }
0x20c: {  	v21 =	vshll.u32 v38, $0x7;
	[tilespmem:v22+s19+$0x0] =	vst.idx.msk $0xffff, v28;
	v22 =	vor.u32 v10, v16  }
0x20d: {  	v28 =	vld.idx.msk [tilespmem:v30+s3+$0x0], $0xffff;
	v30 =	vor.u32 v0, v21;
	[tilespmem:v23+s19+$0x0] =	vst.idx.msk $0xffff, v29;
	v23 =	vor.u32 v7, v17  }
0x20e: {  	v37 =	vor.u32 v8, v17;
	v39 =	vor.u32 v5, v18;
	v29 =	vld.idx.msk [tilespmem:v31+s3+$0x0], $0xffff;
	[tilespmem:v62+s19+$0x0] =	vst.idx.msk $0xffff, v24  }
0x20f: {  	v42 =	vor.u32 v13, v19;
	v41 =	vor.u32 v6, v18;
	[tilespmem:v25+s19+$0x0] =	vst.idx.msk $0xffff, v26;
	v40 =	vld.idx.msk [tilespmem:v63+s3+$0x0], $0xffff  }
0x210: {  	v36 =	vor.u32 v1, v21;
	v32 =	vor.u32 v3, v20;
	v31 =	vld.idx.msk [tilespmem:v34+s3+$0x0], $0xffff;
	[tilespmem:v35+s19+$0x0] =	vst.idx.msk $0xffff, v27  }
0x211: {  	v33 =	vadd.s32 $0x1, v38;
	v26 =	vor.u32 v14, v19;
	v34 =	vor.u32 v4, v20;
	v24 =	vld.idx.msk [tilespmem:v22+s3+$0x0], $0xffff  }
0x212: {  	v27 =	vor.u32 v11, v16;
	v22 =	vshll.u32 v33, $0x7;
	v35 =	vld.idx.msk [tilespmem:v30+s3+$0x0], $0xffff;
	[tilespmem:v23+s19+$0x0] =	vst.idx.msk $0xffff, v28  }
0x213: {  	v23 =	vor.u32 v12, v16;
	v28 =	vor.u32 v9, v17;
	v25 =	vld.idx.msk [tilespmem:v37+s3+$0x0], $0xffff;
	[tilespmem:v39+s19+$0x0] =	vst.idx.msk $0xffff, v29  }
0x214: {  	s25 =	simm.s32 $0x79;
	v37 =	vor.u32 v2, v21;
	v29 =	vor.u32 v10, v17;
	v30 =	vld.idx.msk [tilespmem:v41+s3+$0x0], $0xffff;
	[tilespmem:v42+s19+$0x0] =	vst.idx.msk $0xffff, v40  }
.LBB2_12:
0x215: {  	v38 =	vor.u32 v0, v22  }
0x216: {  	p0 =	sne.s32 s25, $0x1;
	[tilespmem:v32+s19+$0x0] =	vst.idx.msk $0xffff, v31;
	v39 =	vor.u32 v7, v18;
	v40 =	vld.idx.msk [tilespmem:v26+s3+$0x0], $0xffff;
	v41 =	vmov v21;
	v21 =	vmov v22  }
0x217: {  	v42 =	vor.u32 v8, v18;
	v43 =	vor.u32 v15, v19;
	v22 =	vld.idx.msk [tilespmem:v34+s3+$0x0], $0xffff;
	[tilespmem:v27+s19+$0x0] =	vst.idx.msk $0xffff, v24  }
0x218: {  	v44 =	vor.u32 v5, v20;
	v19 =	vmov v16;
	v16 =	vmov v17;
	[tilespmem:v36+s19+$0x0] =	vst.idx.msk $0xffff, v35;
	v45 =	vld.idx.msk [tilespmem:v23+s3+$0x0], $0xffff  }
0x219: {  	v46 =	vor.u32 v6, v20;
	v47 =	vor.u32 v13, v19;
	v31 =	vld.idx.msk [tilespmem:v37+s3+$0x0], $0xffff;
	[tilespmem:v28+s19+$0x0] =	vst.idx.msk $0xffff, v25  }
.Ltmp5:
0x21a: {  	v17 =	vmovc v18;
	v18 =	vmov v20;
	v32 =	vor.u32 v3, v41;
	v26 =	vor.u32 v14, v19;
	v24 =	vld.idx.msk [tilespmem:v29+s3+$0x0], $0xffff;
	(pc) =	sbr.rel @p0 .LBB2_12-.Ltmp5, $4  }
0x21b: {  	v34 =	vor.u32 v4, v41;
	v27 =	vor.u32 v11, v16;
	v35 =	vld.idx.msk [tilespmem:v38+s3+$0x0], $0xffff;
	[tilespmem:v39+s19+$0x0] =	vst.idx.msk $0xffff, v30  }
0x21c: {  	v36 =	vor.u32 v1, v21;
	v23 =	vor.u32 v12, v16;
	v25 =	vld.idx.msk [tilespmem:v42+s3+$0x0], $0xffff;
	[tilespmem:v43+s19+$0x0] =	vst.idx.msk $0xffff, v40  }
0x21d: {  	v33 =	vadd.s32 $0x1, v33;
	v37 =	vor.u32 v2, v21;
	v28 =	vor.u32 v9, v17;
	[tilespmem:v44+s19+$0x0] =	vst.idx.msk $0xffff, v22  }
0x21e: {  	s25 =	sadd.s32 $0xFFFFFFFF, s25;
	v20 =	vmov v41;
	v29 =	vor.u32 v10, v17;
	v22 =	vshll.u32 v33, $0x7;
	v30 =	vld.idx.msk [tilespmem:v46+s3+$0x0], $0xffff;
	[tilespmem:v47+s19+$0x0] =	vst.idx.msk $0xffff, v45  }
0x21f: {  	v33 =	vor.u32 v0, v22;
	_ =	sdelay $0x4  }
0x220: {  	v38 =	vor.u32 v1, v22;
	v33 =	vld.idx.msk [tilespmem:v33+s3+$0x0], $0xffff  }
0x221: {  	v39 =	vor.u32 v2, v22;
	_ =	sdelay $0x1  }
0x222: {  	[tilespmem:v32+s19+$0x0] =	vst.idx.msk $0xffff, v31  }
0x223: {  	v50 =	vor.u32 v5, v20;
	[tilespmem:v36+s19+$0x0] =	vst.idx.msk $0xffff, v35;
	v31 =	vld.idx.msk [tilespmem:v34+s3+$0x0], $0xffff  }
0x224: {  	v45 =	vor.u32 v3, v21;
	v35 =	vld.idx.msk [tilespmem:v37+s3+$0x0], $0xffff;
	[tilespmem:v38+s19+$0x0] =	vst.idx.msk $0xffff, v33  }
0x225: {  	v46 =	vor.u32 v4, v21;
	v48 =	vor.u32 v3, v22;
	v47 =	vld.idx.msk [tilespmem:v39+s3+$0x0], $0xffff  }
0x226: {  	v49 =	vor.u32 v4, v22;
	_ =	sdelay $0x1  }
0x227: {  	[tilespmem:v50+s19+$0x0] =	vst.idx.msk $0xffff, v31  }
0x228: {  	v51 =	vor.u32 v6, v20;
	v40 =	vor.u32 v7, v18;
	[tilespmem:v45+s19+$0x0] =	vst.idx.msk $0xffff, v35  }
0x229: {  	v52 =	vor.u32 v5, v21;
	v31 =	vor.u32 v8, v18;
	v33 =	vld.idx.msk [tilespmem:v46+s3+$0x0], $0xffff;
	[tilespmem:v48+s19+$0x0] =	vst.idx.msk $0xffff, v47  }
0x22a: {  	v53 =	vor.u32 v6, v21;
	v54 =	vor.u32 v5, v22;
	v37 =	vld.idx.msk [tilespmem:v49+s3+$0x0], $0xffff  }
0x22b: {  	v55 =	vor.u32 v6, v22;
	_ =	sdelay $0x1  }
0x22c: {  	v56 =	vor.u32 v7, v20;
	[tilespmem:v40+s19+$0x0] =	vst.idx.msk $0xffff, v30;
	v32 =	vld.idx.msk [tilespmem:v51+s3+$0x0], $0xffff  }
0x22d: {  	v57 =	vor.u32 v8, v20;
	v30 =	vld.idx.msk [tilespmem:v31+s3+$0x0], $0xffff;
	v31 =	vor.u32 v9, v18;
	[tilespmem:v52+s19+$0x0] =	vst.idx.msk $0xffff, v33  }
0x22e: {  	v58 =	vor.u32 v7, v21;
	v35 =	vld.idx.msk [tilespmem:v53+s3+$0x0], $0xffff;
	[tilespmem:v54+s19+$0x0] =	vst.idx.msk $0xffff, v37  }
0x22f: {  	v59 =	vor.u32 v8, v21;
	v60 =	vor.u32 v7, v22;
	v38 =	vld.idx.msk [tilespmem:v55+s3+$0x0], $0xffff  }
0x230: {  	v41 =	vor.u32 v8, v22;
	[tilespmem:v28+s19+$0x0] =	vst.idx.msk $0xffff, v25  }
0x231: {  	[tilespmem:v56+s19+$0x0] =	vst.idx.msk $0xffff, v32  }
0x232: {  	v61 =	vor.u32 v10, v18;
	v62 =	vor.u32 v9, v20;
	v33 =	vld.idx.msk [tilespmem:v57+s3+$0x0], $0xffff;
	[tilespmem:v31+s19+$0x0] =	vst.idx.msk $0xffff, v30  }
0x233: {  	v63 =	vor.u32 v10, v20;
	v28 =	vld.idx.msk [tilespmem:v29+s3+$0x0], $0xffff;
	v29 =	vor.u32 v11, v17;
	[tilespmem:v58+s19+$0x0] =	vst.idx.msk $0xffff, v35  }
0x234: {  	v40 =	vor.u32 v9, v21;
	v30 =	vor.u32 v12, v17;
	v36 =	vld.idx.msk [tilespmem:v59+s3+$0x0], $0xffff;
	[tilespmem:v60+s19+$0x0] =	vst.idx.msk $0xffff, v38  }
0x235: {  	[tilespmem:v27+s19+$0x0] =	vst.idx.msk $0xffff, v24;
	v24 =	vor.u32 v10, v21;
	v42 =	vor.u32 v9, v22;
	v27 =	vld.idx.msk [tilespmem:v41+s3+$0x0], $0xffff  }
0x236: {  	v26 =	vld.idx.msk [tilespmem:v26+s3+$0x0], $0xffff;
	v19 =	vor.u32 v15, v19;
	v25 =	vor.u32 v10, v22  }
0x237: {  	v43 =	vor.u32 v11, v18;
	v31 =	vld.idx.msk [tilespmem:v61+s3+$0x0], $0xffff;
	[tilespmem:v62+s19+$0x0] =	vst.idx.msk $0xffff, v33  }
0x238: {  	v44 =	vor.u32 v12, v18;
	v45 =	vor.u32 v11, v20;
	[tilespmem:v29+s19+$0x0] =	vst.idx.msk $0xffff, v28;
	v34 =	vld.idx.msk [tilespmem:v63+s3+$0x0], $0xffff  }
0x239: {  	v46 =	vor.u32 v12, v20;
	v48 =	vor.u32 v13, v17;
	v30 =	vld.idx.msk [tilespmem:v30+s3+$0x0], $0xffff;
	[tilespmem:v40+s19+$0x0] =	vst.idx.msk $0xffff, v36  }
0x23a: {  	v47 =	vor.u32 v11, v21;
	v24 =	vld.idx.msk [tilespmem:v24+s3+$0x0], $0xffff;
	[tilespmem:v42+s19+$0x0] =	vst.idx.msk $0xffff, v27  }
0x23b: {  	[tilespmem:v19+s19+$0x0] =	vst.idx.msk $0xffff, v26;
	v19 =	vor.u32 v12, v21;
	v26 =	vor.u32 v11, v22;
	v25 =	vld.idx.msk [tilespmem:v25+s3+$0x0], $0xffff  }
0x23c: {  	v23 =	vld.idx.msk [tilespmem:v23+s3+$0x0], $0xffff;
	v28 =	vor.u32 v12, v22;
	[tilespmem:v43+s19+$0x0] =	vst.idx.msk $0xffff, v31;
	v27 =	vor.u32 v13, v16  }
0x23d: {  	v29 =	vor.u32 v14, v16;
	v49 =	vor.u32 v13, v18;
	v32 =	vld.idx.msk [tilespmem:v44+s3+$0x0], $0xffff;
	[tilespmem:v45+s19+$0x0] =	vst.idx.msk $0xffff, v34  }
0x23e: {  	v50 =	vor.u32 v14, v18;
	v51 =	vor.u32 v13, v20;
	[tilespmem:v48+s19+$0x0] =	vst.idx.msk $0xffff, v30;
	v35 =	vld.idx.msk [tilespmem:v46+s3+$0x0], $0xffff  }
0x23f: {  	[tilespmem:v47+s19+$0x0] =	vst.idx.msk $0xffff, v24;
	v24 =	vor.u32 v14, v20  }
0x240: {  	v52 =	vor.u32 v13, v21;
	v31 =	vor.u32 v14, v17;
	v19 =	vld.idx.msk [tilespmem:v19+s3+$0x0], $0xffff;
	[tilespmem:v26+s19+$0x0] =	vst.idx.msk $0xffff, v25  }
0x241: {  	[tilespmem:v27+s19+$0x0] =	vst.idx.msk $0xffff, v23;
	v23 =	vor.u32 v14, v21;
	v26 =	vor.u32 v13, v22;
	v25 =	vld.idx.msk [tilespmem:v28+s3+$0x0], $0xffff  }
0x242: {  	[tilespmem:v49+s19+$0x0] =	vst.idx.msk $0xffff, v32;
	v16 =	vor.u32 v15, v16;
	v27 =	vld.idx.msk [tilespmem:v29+s3+$0x0], $0xffff;
	v28 =	vor.u32 v14, v22  }
0x243: {  	v18 =	vor.u32 v15, v18;
	v30 =	vld.idx.msk [tilespmem:v50+s3+$0x0], $0xffff;
	[tilespmem:v51+s19+$0x0] =	vst.idx.msk $0xffff, v35  }
0x244: {  	v20 =	vor.u32 v15, v20;
	v24 =	vld.idx.msk [tilespmem:v24+s3+$0x0], $0xffff  }
0x245: {  	v17 =	vor.u32 v15, v17;
	[tilespmem:v52+s19+$0x0] =	vst.idx.msk $0xffff, v19;
	v29 =	vld.idx.msk [tilespmem:v31+s3+$0x0], $0xffff  }
0x246: {  	v21 =	vor.u32 v15, v21;
	v19 =	vld.idx.msk [tilespmem:v23+s3+$0x0], $0xffff;
	[tilespmem:v26+s19+$0x0] =	vst.idx.msk $0xffff, v25  }
0x247: {  	v22 =	vor.u32 v15, v22;
	[tilespmem:v16+s19+$0x0] =	vst.idx.msk $0xffff, v27;
	v16 =	vld.idx.msk [tilespmem:v28+s3+$0x0], $0xffff  }
0x248: {  	[tilespmem:v18+s19+$0x0] =	vst.idx.msk $0xffff, v30  }
0x249: {  	[tilespmem:v20+s19+$0x0] =	vst.idx.msk $0xffff, v24  }
0x24a: {  	[tilespmem:v17+s19+$0x0] =	vst.idx.msk $0xffff, v29  }
0x24b: {  	[tilespmem:v21+s19+$0x0] =	vst.idx.msk $0xffff, v19  }
0x24c: {  	[tilespmem:v22+s19+$0x0] =	vst.idx.msk $0xffff, v16  }
0x24d: {  	v16 =	vimm.s32 $0x0;
	[hbm4b:s14+s3] =	stream.linear.scatter [tilespmem:s19], [sflag:$0x3], $0x4000, $0x38;
	[tilespmem:$0x10000] =	vst v63  }
0x24e: {  	v19 =	vshll.u32 v16, $0x7;
	_ =	swait.ge [sflag:s20], $0x4000  }
0x24f: {  	v17 =	vor.u32 v0, v19;
	[sflag:s20] =	ssyncset.done $0x0  }
0x250: {  	[sflag:s20] =	ssyncadd.s32 $0xFFFFC000  }
0x251: {  	_ =	swait.ge [sflag:s23], $0x4000  }
0x252: {  	[sflag:s23] =	ssyncset.done $0x0  }
0x253: {  	[sflag:s23] =	ssyncadd.s32 $0xFFFFC000  }
0x254: {  	v18 =	vor.u32 v1, v19;
	v17 =	vld.idx.msk [tilespmem:v17+s17+$0x0], $0xffff  }
0x255: {  	v21 =	vadd.s32 $0x1, v16;
	v20 =	vor.u32 v2, v19  }
0x256: {  	v16 =	vshll.u32 v21, $0x7  }
0x257: {  	v22 =	vor.u32 v0, v16;
	_ =	sdelay $0x1  }
0x258: {  	[tilespmem:v18+s21+$0x0] =	vst.idx.msk $0xffff, v17  }
0x259: {  	v18 =	vld.idx.msk [tilespmem:v20+s17+$0x0], $0xffff;
	v20 =	vor.u32 v3, v19  }
0x25a: {  	v23 =	vor.u32 v4, v19  }
0x25b: {  	v24 =	vor.u32 v1, v16;
	v22 =	vld.idx.msk [tilespmem:v22+s17+$0x0], $0xffff  }
0x25c: {  	v21 =	vadd.s32 $0x1, v21;
	v25 =	vor.u32 v2, v16  }
0x25d: {  	v17 =	vshll.u32 v21, $0x7  }
0x25e: {  	v26 =	vor.u32 v0, v17;
	[tilespmem:v20+s21+$0x0] =	vst.idx.msk $0xffff, v18  }
0x25f: {  	v20 =	vor.u32 v5, v19;
	v18 =	vld.idx.msk [tilespmem:v23+s17+$0x0], $0xffff  }
0x260: {  	[tilespmem:v24+s21+$0x0] =	vst.idx.msk $0xffff, v22;
	v22 =	vor.u32 v6, v19  }
0x261: {  	v24 =	vor.u32 v3, v16;
	v23 =	vld.idx.msk [tilespmem:v25+s17+$0x0], $0xffff  }
0x262: {  	v25 =	vor.u32 v4, v16  }
0x263: {  	v21 =	vadd.s32 $0x1, v21;
	v27 =	vor.u32 v1, v17;
	v26 =	vld.idx.msk [tilespmem:v26+s17+$0x0], $0xffff  }
0x264: {  	v28 =	vor.u32 v2, v17;
	[tilespmem:v20+s21+$0x0] =	vst.idx.msk $0xffff, v18;
	v18 =	vshll.u32 v21, $0x7  }
0x265: {  	v29 =	vor.u32 v7, v19;
	v20 =	vld.idx.msk [tilespmem:v22+s17+$0x0], $0xffff;
	v22 =	vor.u32 v0, v18  }
0x266: {  	[tilespmem:v24+s21+$0x0] =	vst.idx.msk $0xffff, v23;
	v23 =	vor.u32 v8, v19  }
0x267: {  	v24 =	vld.idx.msk [tilespmem:v25+s17+$0x0], $0xffff;
	v25 =	vor.u32 v5, v16  }
0x268: {  	[tilespmem:v27+s21+$0x0] =	vst.idx.msk $0xffff, v26;
	v26 =	vor.u32 v6, v16  }
0x269: {  	v27 =	vld.idx.msk [tilespmem:v28+s17+$0x0], $0xffff;
	v28 =	vor.u32 v3, v17  }
0x26a: {  	v30 =	vor.u32 v4, v17;
	v22 =	vld.idx.msk [tilespmem:v22+s17+$0x0], $0xffff;
	[tilespmem:v29+s21+$0x0] =	vst.idx.msk $0xffff, v20;
	v29 =	vor.u32 v1, v18  }
0x26b: {  	v53 =	vor.u32 v9, v19;
	v21 =	vadd.s32 $0x1, v21;
	v31 =	vor.u32 v2, v18;
	v23 =	vld.idx.msk [tilespmem:v23+s17+$0x0], $0xffff  }
0x26c: {  	[tilespmem:v25+s21+$0x0] =	vst.idx.msk $0xffff, v24;
	v20 =	vshll.u32 v21, $0x7;
	v24 =	vor.u32 v10, v19  }
0x26d: {  	v54 =	vor.u32 v7, v16;
	v25 =	vld.idx.msk [tilespmem:v26+s17+$0x0], $0xffff;
	v26 =	vor.u32 v0, v20  }
0x26e: {  	[tilespmem:v28+s21+$0x0] =	vst.idx.msk $0xffff, v27;
	v27 =	vor.u32 v8, v16  }
0x26f: {  	v28 =	vld.idx.msk [tilespmem:v30+s17+$0x0], $0xffff;
	[tilespmem:v29+s21+$0x0] =	vst.idx.msk $0xffff, v22;
	v22 =	vor.u32 v5, v17  }
0x270: {  	v30 =	vor.u32 v6, v17;
	v29 =	vld.idx.msk [tilespmem:v31+s17+$0x0], $0xffff;
	[tilespmem:v53+s21+$0x0] =	vst.idx.msk $0xffff, v23;
	v23 =	vor.u32 v3, v18  }
0x271: {  	v55 =	vor.u32 v11, v19;
	v31 =	vor.u32 v4, v18;
	v24 =	vld.idx.msk [tilespmem:v24+s17+$0x0], $0xffff  }
0x272: {  	v56 =	vor.u32 v12, v19;
	v26 =	vld.idx.msk [tilespmem:v26+s17+$0x0], $0xffff;
	[tilespmem:v54+s21+$0x0] =	vst.idx.msk $0xffff, v25;
	v25 =	vor.u32 v1, v20  }
0x273: {  	v59 =	vor.u32 v9, v16;
	v58 =	vadd.s32 $0x1, v21;
	v57 =	vor.u32 v2, v20;
	v27 =	vld.idx.msk [tilespmem:v27+s17+$0x0], $0xffff  }
0x274: {  	v21 =	vshll.u32 v58, $0x7;
	[tilespmem:v22+s21+$0x0] =	vst.idx.msk $0xffff, v28;
	v22 =	vor.u32 v10, v16  }
0x275: {  	v28 =	vld.idx.msk [tilespmem:v30+s17+$0x0], $0xffff;
	v30 =	vor.u32 v0, v21;
	[tilespmem:v23+s21+$0x0] =	vst.idx.msk $0xffff, v29;
	v23 =	vor.u32 v7, v17  }
0x276: {  	v60 =	vor.u32 v8, v17;
	v61 =	vor.u32 v5, v18;
	v29 =	vld.idx.msk [tilespmem:v31+s17+$0x0], $0xffff;
	[tilespmem:v55+s21+$0x0] =	vst.idx.msk $0xffff, v24  }
0x277: {  	v42 =	vor.u32 v13, v19;
	v63 =	vor.u32 v6, v18;
	[tilespmem:v25+s21+$0x0] =	vst.idx.msk $0xffff, v26;
	v62 =	vld.idx.msk [tilespmem:v56+s17+$0x0], $0xffff  }
0x278: {  	v33 =	vadd.s32 $0x1, v58;
	v32 =	vor.u32 v3, v20;
	v31 =	vld.idx.msk [tilespmem:v57+s17+$0x0], $0xffff;
	[tilespmem:v59+s21+$0x0] =	vst.idx.msk $0xffff, v27  }
0x279: {  	v34 =	vor.u32 v4, v20;
	v36 =	vor.u32 v1, v21;
	v26 =	vor.u32 v14, v19;
	v24 =	vld.idx.msk [tilespmem:v22+s17+$0x0], $0xffff  }
0x27a: {  	v37 =	vor.u32 v2, v21;
	v27 =	vor.u32 v11, v16;
	v35 =	vld.idx.msk [tilespmem:v30+s17+$0x0], $0xffff;
	[tilespmem:v23+s21+$0x0] =	vst.idx.msk $0xffff, v28  }
0x27b: {  	v22 =	vshll.u32 v33, $0x7;
	v23 =	vor.u32 v12, v16;
	v25 =	vld.idx.msk [tilespmem:v60+s17+$0x0], $0xffff;
	[tilespmem:v61+s21+$0x0] =	vst.idx.msk $0xffff, v29  }
0x27c: {  	s25 =	simm.s32 $0x79;
	v28 =	vor.u32 v9, v17;
	v29 =	vor.u32 v10, v17;
	v30 =	vld.idx.msk [tilespmem:v63+s17+$0x0], $0xffff;
	[tilespmem:v42+s21+$0x0] =	vst.idx.msk $0xffff, v62  }
.LBB2_14:
0x27d: {  	v38 =	vor.u32 v0, v22  }
0x27e: {  	p0 =	sne.s32 s25, $0x1;
	[tilespmem:v32+s21+$0x0] =	vst.idx.msk $0xffff, v31;
	v39 =	vor.u32 v7, v18;
	v40 =	vld.idx.msk [tilespmem:v26+s17+$0x0], $0xffff;
	v41 =	vmov v21;
	v21 =	vmov v22  }
0x27f: {  	v42 =	vor.u32 v8, v18;
	v43 =	vor.u32 v15, v19;
	v22 =	vld.idx.msk [tilespmem:v34+s17+$0x0], $0xffff;
	[tilespmem:v27+s21+$0x0] =	vst.idx.msk $0xffff, v24  }
0x280: {  	v44 =	vor.u32 v5, v20;
	v19 =	vmov v16;
	v16 =	vmov v17;
	[tilespmem:v36+s21+$0x0] =	vst.idx.msk $0xffff, v35;
	v45 =	vld.idx.msk [tilespmem:v23+s17+$0x0], $0xffff  }
0x281: {  	v46 =	vor.u32 v6, v20;
	v47 =	vor.u32 v13, v19;
	v31 =	vld.idx.msk [tilespmem:v37+s17+$0x0], $0xffff;
	[tilespmem:v28+s21+$0x0] =	vst.idx.msk $0xffff, v25  }
.Ltmp6:
0x282: {  	v17 =	vmovc v18;
	v18 =	vmov v20;
	v32 =	vor.u32 v3, v41;
	v26 =	vor.u32 v14, v19;
	v24 =	vld.idx.msk [tilespmem:v29+s17+$0x0], $0xffff;
	(pc) =	sbr.rel @p0 .LBB2_14-.Ltmp6, $4  }
0x283: {  	v34 =	vor.u32 v4, v41;
	v27 =	vor.u32 v11, v16;
	v35 =	vld.idx.msk [tilespmem:v38+s17+$0x0], $0xffff;
	[tilespmem:v39+s21+$0x0] =	vst.idx.msk $0xffff, v30  }
0x284: {  	v36 =	vor.u32 v1, v21;
	v23 =	vor.u32 v12, v16;
	v25 =	vld.idx.msk [tilespmem:v42+s17+$0x0], $0xffff;
	[tilespmem:v43+s21+$0x0] =	vst.idx.msk $0xffff, v40  }
0x285: {  	v33 =	vadd.s32 $0x1, v33;
	v37 =	vor.u32 v2, v21;
	v28 =	vor.u32 v9, v17;
	[tilespmem:v44+s21+$0x0] =	vst.idx.msk $0xffff, v22  }
0x286: {  	s25 =	sadd.s32 $0xFFFFFFFF, s25;
	v20 =	vmov v41;
	v29 =	vor.u32 v10, v17;
	v22 =	vshll.u32 v33, $0x7;
	v30 =	vld.idx.msk [tilespmem:v46+s17+$0x0], $0xffff;
	[tilespmem:v47+s21+$0x0] =	vst.idx.msk $0xffff, v45  }
0x287: {  	v33 =	vor.u32 v0, v22;
	_ =	sdelay $0x4  }
0x288: {  	v38 =	vor.u32 v1, v22;
	v33 =	vld.idx.msk [tilespmem:v33+s17+$0x0], $0xffff  }
0x289: {  	v39 =	vor.u32 v2, v22;
	_ =	sdelay $0x2  }
0x28a: {  	[tilespmem:v36+s21+$0x0] =	vst.idx.msk $0xffff, v35  }
0x28b: {  	v54 =	vor.u32 v3, v21;
	v35 =	vld.idx.msk [tilespmem:v37+s17+$0x0], $0xffff;
	[tilespmem:v38+s21+$0x0] =	vst.idx.msk $0xffff, v33  }
0x28c: {  	v55 =	vor.u32 v4, v21;
	v57 =	vor.u32 v3, v22;
	v56 =	vld.idx.msk [tilespmem:v39+s17+$0x0], $0xffff  }
0x28d: {  	v58 =	vor.u32 v4, v22;
	_ =	sdelay $0x1  }
0x28e: {  	[tilespmem:v32+s21+$0x0] =	vst.idx.msk $0xffff, v31  }
0x28f: {  	v59 =	vor.u32 v5, v20;
	v31 =	vld.idx.msk [tilespmem:v34+s17+$0x0], $0xffff;
	[tilespmem:v54+s21+$0x0] =	vst.idx.msk $0xffff, v35  }
0x290: {  	v60 =	vor.u32 v6, v20;
	v61 =	vor.u32 v5, v21;
	v33 =	vld.idx.msk [tilespmem:v55+s17+$0x0], $0xffff;
	[tilespmem:v57+s21+$0x0] =	vst.idx.msk $0xffff, v56  }
0x291: {  	v62 =	vor.u32 v6, v21;
	v63 =	vor.u32 v5, v22;
	v37 =	vld.idx.msk [tilespmem:v58+s17+$0x0], $0xffff  }
0x292: {  	v44 =	vor.u32 v6, v22;
	_ =	sdelay $0x1  }
0x293: {  	v40 =	vor.u32 v7, v18;
	[tilespmem:v59+s21+$0x0] =	vst.idx.msk $0xffff, v31  }
0x294: {  	v45 =	vor.u32 v8, v18;
	v46 =	vor.u32 v7, v20;
	v32 =	vld.idx.msk [tilespmem:v60+s17+$0x0], $0xffff;
	[tilespmem:v61+s21+$0x0] =	vst.idx.msk $0xffff, v33  }
0x295: {  	v47 =	vor.u32 v8, v20;
	v48 =	vor.u32 v7, v21;
	v35 =	vld.idx.msk [tilespmem:v62+s17+$0x0], $0xffff;
	[tilespmem:v63+s21+$0x0] =	vst.idx.msk $0xffff, v37  }
0x296: {  	v49 =	vor.u32 v8, v21;
	v50 =	vor.u32 v7, v22;
	v38 =	vld.idx.msk [tilespmem:v44+s17+$0x0], $0xffff  }
0x297: {  	v41 =	vor.u32 v8, v22  }
0x298: {  	[tilespmem:v40+s21+$0x0] =	vst.idx.msk $0xffff, v30  }
0x299: {  	v51 =	vor.u32 v9, v18;
	v30 =	vld.idx.msk [tilespmem:v45+s17+$0x0], $0xffff;
	[tilespmem:v46+s21+$0x0] =	vst.idx.msk $0xffff, v32  }
0x29a: {  	v52 =	vor.u32 v10, v18;
	v53 =	vor.u32 v9, v20;
	v33 =	vld.idx.msk [tilespmem:v47+s17+$0x0], $0xffff;
	[tilespmem:v48+s21+$0x0] =	vst.idx.msk $0xffff, v35  }
0x29b: {  	v54 =	vor.u32 v10, v20;
	v55 =	vor.u32 v9, v21;
	v36 =	vld.idx.msk [tilespmem:v49+s17+$0x0], $0xffff;
	[tilespmem:v50+s21+$0x0] =	vst.idx.msk $0xffff, v38  }
0x29c: {  	[tilespmem:v27+s21+$0x0] =	vst.idx.msk $0xffff, v24;
	v56 =	vor.u32 v10, v21;
	v58 =	vor.u32 v9, v22;
	v57 =	vld.idx.msk [tilespmem:v41+s17+$0x0], $0xffff  }
0x29d: {  	v26 =	vld.idx.msk [tilespmem:v26+s17+$0x0], $0xffff;
	v19 =	vor.u32 v15, v19;
	[tilespmem:v28+s21+$0x0] =	vst.idx.msk $0xffff, v25;
	v59 =	vor.u32 v10, v22  }
0x29e: {  	v28 =	vld.idx.msk [tilespmem:v29+s17+$0x0], $0xffff;
	v60 =	vor.u32 v11, v17;
	[tilespmem:v51+s21+$0x0] =	vst.idx.msk $0xffff, v30  }
0x29f: {  	v31 =	vld.idx.msk [tilespmem:v52+s17+$0x0], $0xffff;
	v61 =	vor.u32 v12, v17;
	v62 =	vor.u32 v11, v18;
	[tilespmem:v53+s21+$0x0] =	vst.idx.msk $0xffff, v33  }
0x2a0: {  	v40 =	vor.u32 v11, v20;
	v34 =	vld.idx.msk [tilespmem:v54+s17+$0x0], $0xffff;
	v63 =	vor.u32 v12, v18;
	[tilespmem:v55+s21+$0x0] =	vst.idx.msk $0xffff, v36  }
0x2a1: {  	v42 =	vor.u32 v11, v21;
	v24 =	vld.idx.msk [tilespmem:v56+s17+$0x0], $0xffff;
	v41 =	vor.u32 v12, v20;
	[tilespmem:v58+s21+$0x0] =	vst.idx.msk $0xffff, v57  }
0x2a2: {  	v43 =	vor.u32 v12, v21;
	[tilespmem:v19+s21+$0x0] =	vst.idx.msk $0xffff, v26;
	v44 =	vor.u32 v11, v22;
	v25 =	vld.idx.msk [tilespmem:v59+s17+$0x0], $0xffff  }
0x2a3: {  	v23 =	vld.idx.msk [tilespmem:v23+s17+$0x0], $0xffff;
	v45 =	vor.u32 v13, v16;
	[tilespmem:v60+s21+$0x0] =	vst.idx.msk $0xffff, v28;
	v46 =	vor.u32 v12, v22  }
0x2a4: {  	v47 =	vor.u32 v14, v16;
	v30 =	vld.idx.msk [tilespmem:v61+s17+$0x0], $0xffff;
	v48 =	vor.u32 v13, v17;
	[tilespmem:v62+s21+$0x0] =	vst.idx.msk $0xffff, v31  }
0x2a5: {  	v49 =	vor.u32 v14, v17;
	[tilespmem:v40+s21+$0x0] =	vst.idx.msk $0xffff, v34;
	v32 =	vld.idx.msk [tilespmem:v63+s17+$0x0], $0xffff;
	v50 =	vor.u32 v13, v18  }
0x2a6: {  	v51 =	vor.u32 v14, v18;
	v52 =	vor.u32 v13, v20;
	[tilespmem:v42+s21+$0x0] =	vst.idx.msk $0xffff, v24;
	v35 =	vld.idx.msk [tilespmem:v41+s17+$0x0], $0xffff  }
0x2a7: {  	v53 =	vor.u32 v14, v20;
	v54 =	vor.u32 v13, v21;
	v19 =	vld.idx.msk [tilespmem:v43+s17+$0x0], $0xffff;
	[tilespmem:v44+s21+$0x0] =	vst.idx.msk $0xffff, v25  }
0x2a8: {  	[tilespmem:v45+s21+$0x0] =	vst.idx.msk $0xffff, v23;
	v55 =	vor.u32 v14, v21;
	v56 =	vor.u32 v13, v22;
	v25 =	vld.idx.msk [tilespmem:v46+s17+$0x0], $0xffff  }
0x2a9: {  	v16 =	vor.u32 v15, v16;
	v27 =	vld.idx.msk [tilespmem:v47+s17+$0x0], $0xffff;
	[tilespmem:v48+s21+$0x0] =	vst.idx.msk $0xffff, v30;
	v57 =	vor.u32 v14, v22  }
0x2aa: {  	v17 =	vor.u32 v15, v17;
	[tilespmem:v50+s21+$0x0] =	vst.idx.msk $0xffff, v32;
	v58 =	vld.idx.msk [tilespmem:v49+s17+$0x0], $0xffff  }
0x2ab: {  	v60 =	vor.u32 v15, v18;
	v59 =	vld.idx.msk [tilespmem:v51+s17+$0x0], $0xffff;
	[tilespmem:v52+s21+$0x0] =	vst.idx.msk $0xffff, v35  }
0x2ac: {  	v61 =	vor.u32 v15, v20;
	[tilespmem:v54+s21+$0x0] =	vst.idx.msk $0xffff, v19;
	v24 =	vld.idx.msk [tilespmem:v53+s17+$0x0], $0xffff  }
0x2ad: {  	v62 =	vor.u32 v15, v21;
	v19 =	vld.idx.msk [tilespmem:v55+s17+$0x0], $0xffff;
	[tilespmem:v56+s21+$0x0] =	vst.idx.msk $0xffff, v25  }
0x2ae: {  	[tilespmem:v16+s21+$0x0] =	vst.idx.msk $0xffff, v27;
	v63 =	vor.u32 v15, v22;
	v16 =	vld.idx.msk [tilespmem:v57+s17+$0x0], $0xffff  }
0x2af: {  	[tilespmem:v17+s21+$0x0] =	vst.idx.msk $0xffff, v58  }
0x2b0: {  	[tilespmem:v60+s21+$0x0] =	vst.idx.msk $0xffff, v59  }
0x2b1: {  	[tilespmem:v61+s21+$0x0] =	vst.idx.msk $0xffff, v24  }
0x2b2: {  	[tilespmem:v62+s21+$0x0] =	vst.idx.msk $0xffff, v19  }
0x2b3: {  	s24 =	sadd.s32 $0x1, s24;
	[tilespmem:v63+s21+$0x0] =	vst.idx.msk $0xffff, v16  }
0x2b4: {  	[hbm4b:s15+s3] =	stream.linear.scatter [tilespmem:s21], [sflag:$0x4], $0x4000, $0x38;
	[tilespmem:$0x10000] =	vst v63  }
0x2b5: {  	p0 =	sne.s32 s24, s16;
	_ =	swait.ge [sflag:s22], $0x4000  }
.Ltmp7:
0x2b6: {  	[sflag:s22] =	ssyncset.done $0x0;
	(pc) =	sbr.rel @p0 .LBB2_1-.Ltmp7, $4  }
0x2b7: {  	[sflag:s22] =	ssyncadd.s32 $0xFFFFC000  }
0x2b8: {  	_ =	swait.ge [sflag:s23], $0x4000  }
0x2b9: {  	[sflag:s23] =	ssyncset.done $0x0  }
0x2ba: {  	[sflag:s23] =	ssyncadd.s32 $0xFFFFC000  }
0x2bb: {  	_ =	sfence.sel $0x180000  }
0x2bc: {  	[bflag:$0x0] =	sbarrier.arrive $0xFFFF  }
0x2bd: {  	p0 =	sne.s32 s2, $0x0;
	_ =	strace $0x90000047  }
0x2be: {  	s0 =	sadd.s32 @!p0 $0x100000, s0;
	[bflag:$0x2] =	sbarrier.arrive $0xFFFF  }
0x2bf: {  	[sflag:s0] =	ssyncadd.tile.s32 @!p0 $0x1;
	_ =	shalt  }
.Lfunc_end2:
_tile_overlayer_lowered:
.L_overlay_start_2:
0x2c0: {  	(tag) =	ssettag $0x2  }
0x2c1: {  	s0 =	rddreg [dreg:$0x0];
	s2 =	stileid.u32  }
0x2c2: {  	s1 =	rddreg [dreg:$0x1];
	p0 =	sne.s32 s2, $0x0  }
0x2c3: {  	s3 =	rddreg [dreg:$0x2];
	[bflag:$0x3] =	sbarrier.arrive $0xFFFF;
	s2 =	simm.s32 @!p0 $0x1C05  }
0x2c4: {  	[timem:s3], [sflag:s2] =	dma.local @!p0 [hbm:s0], s1  }
0x2c5: {  	s0 =	simm.s32 @!p0 $0x5  }
0x2c6: {  	_ =	swait.ge @!p0 [sflag:s0], s1  }
0x2c7: {  	s1 =	ssub.s32 @!p0 $0x0, s1;
	[sflag:s0] =	ssyncset.done @!p0 $0x0  }
0x2c8: {  	[sflag:s0] =	ssyncadd.s32 @!p0 s1  }
0x2c9: {  	[bflag:$0x3] =	sbarrier.arrive $0xFFFF  }
0x2ca: {  	_ =	shalt  }

</sc_bundles>
